<compile_context>
chip_gen: v7x
topology: tpu7x:2x2x1
jax: 0.10.2.dev20260603
libtpu: 0.0.44.dev20260713+nightly
codegen_flags: <defaults>
</compile_context>

<pallas_src>
import functools

import jax
import jax.numpy as jnp
from jax import lax
from jax.experimental import pallas as pl
from jax.experimental.pallas import tpu as pltpu
from jax.experimental.pallas import tpu_sc as plsc

N_NODES = 10000
N_EDGES = 320000
F = 128
NG = 100
NPG = 100

NC, NS = 2, 16
EPT = N_EDGES // NS
KC = 80
NCH = EPT // KC


@functools.cache
def _get_sc_agg():
    mesh = plsc.VectorSubcoreMesh(
        core_axis_name="c", subcore_axis_name="s",
        num_cores=NC, num_subcores=NS)
    return pl.kernel(
        _sc_agg_body,
        out_type=jax.ShapeDtypeStruct((2, N_NODES, F), jnp.float32),
        mesh=mesh,
        scratch_types=(
            [pltpu.VMEM((KC,), jnp.int32)] * 8
            + [pltpu.VMEM((KC, F), jnp.float32)] * 4
            + [pltpu.VMEM_SHARED((N_NODES, F), jnp.float32)]
            + [pltpu.SemaphoreType.DMA] * 12
        ),
    )


def _sc_agg_body(x_hbm, ei_hbm, zeros_hbm, out_hbm,
                 src_a, dst_a, src_b, dst_b, src_c, dst_c, src_d, dst_d,
                 rows_a, rows_b, rows_c, rows_d, agg_sh,
                 isem_a, isem_b, isem_c, isem_d,
                 gsem_a, gsem_b, gsem_c, gsem_d,
                 ssem_a, ssem_b, ssem_c, ssem_d):
    c = lax.axis_index("c")
    s = lax.axis_index("s")
    rpt = 624
    tail = N_NODES - NS * rpt

    pltpu.sync_copy(zeros_hbm.at[pl.ds(s * rpt, rpt)],
                    agg_sh.at[pl.ds(s * rpt, rpt)])
    @pl.when(s == 0)
    def _():
        pltpu.sync_copy(zeros_hbm.at[pl.ds(NS * rpt, tail)],
                        agg_sh.at[pl.ds(NS * rpt, tail)])

    sbase = (c * NS + s) * EPT
    dbase = ((1 - c) * NS + s) * EPT

    def idx_issue(j, st):
        off = j * KC
        pltpu.async_copy(ei_hbm.at[pl.ds(sbase + off, KC)], st[0], st[3])
        pltpu.async_copy(ei_hbm.at[pl.ds(dbase + off, KC)], st[1], st[3])

    def idx_wait(st):
        pltpu.make_async_copy(ei_hbm.at[pl.ds(sbase, KC)], st[0], st[3]).wait()
        pltpu.make_async_copy(ei_hbm.at[pl.ds(dbase, KC)], st[1], st[3]).wait()

    def gather_issue(st):
        pltpu.async_copy(x_hbm.at[st[0]], st[2], st[4])

    def gather_wait(st):
        pltpu.make_async_copy(x_hbm.at[src_a], st[2], st[4]).wait()

    def scat_issue(st):
        pltpu.async_copy(st[2], agg_sh.at[st[1]], st[5], add=True)

    def scat_wait(st):
        pltpu.make_async_copy(st[2], agg_sh.at[dst_a], st[5]).wait()

    sets = [(src_a, dst_a, rows_a, isem_a, gsem_a, ssem_a),
            (src_b, dst_b, rows_b, isem_b, gsem_b, ssem_b),
            (src_c, dst_c, rows_c, isem_c, gsem_c, ssem_c),
            (src_d, dst_d, rows_d, isem_d, gsem_d, ssem_d)]

    plsc.subcore_barrier()
    idx_issue(0, sets[0])
    idx_issue(1, sets[1])
    idx_wait(sets[0])
    gather_issue(sets[0])
    idx_wait(sets[1])
    gather_issue(sets[1])

    nsup = NCH // 4

    def body(u, carry):
        t0 = 4 * u
        for pos in range(4):
            cur = sets[pos]
            p2 = sets[(pos + 2) % 4]
            if pos < 2:
                @pl.when(u > 0)
                def _(p2=p2):
                    scat_wait(p2)
                idx_issue(t0 + pos + 2, p2)
                gather_wait(cur)
                scat_issue(cur)
                idx_wait(p2)
                gather_issue(p2)
            else:
                scat_wait(p2)
                gather_wait(cur)
                scat_issue(cur)
                idx_issue(t0 + pos + 2, p2)
                idx_wait(p2)
                gather_issue(p2)
        return carry

    lax.fori_loop(0, nsup, body, 0)
    scat_wait(sets[2])
    gather_wait(sets[0])
    scat_issue(sets[0])
    scat_wait(sets[3])
    gather_wait(sets[1])
    scat_issue(sets[1])
    scat_wait(sets[0])
    scat_wait(sets[1])
    plsc.subcore_barrier()
    pltpu.sync_copy(agg_sh.at[pl.ds(s * rpt, rpt)],
                    out_hbm.at[c, pl.ds(s * rpt, rpt)])
    @pl.when(s == 0)
    def _():
        pltpu.sync_copy(agg_sh.at[pl.ds(NS * rpt, tail)],
                        out_hbm.at[c, pl.ds(NS * rpt, tail)])


GB = 20
RB = GB * NPG


def _dense_body(x_r, af_r, ar_r, w1a_r, b1a_r, w2a_r, b2a_r,
                w1b_r, b1b_r, w2b_r, b2b_r, wl1_r, bl1_r, wl2_r, bl2_r,
                wa_r, ba_r, out_r):
    xb = x_r[...]

    def mlp(agg, w1, b1, w2, b2):
        h = xb + agg
        h = jnp.maximum(jnp.dot(h, w1, preferred_element_type=jnp.float32)
                        + b1, 0.0)
        return jnp.dot(h, w2, preferred_element_type=jnp.float32) + b2

    hf = mlp(af_r[...], w1a_r[...], b1a_r[...], w2a_r[...], b2a_r[...])
    hr = mlp(ar_r[...], w1b_r[...], b1b_r[...], w2b_r[...], b2b_r[...])

    gi = lax.broadcasted_iota(jnp.int32, (GB, RB), 0)
    ni = lax.broadcasted_iota(jnp.int32, (GB, RB), 1) // NPG
    sel = (gi == ni).astype(jnp.float32)
    ug = lax.broadcasted_iota(jnp.int32, (RB, GB), 0) // NPG
    gg = lax.broadcasted_iota(jnp.int32, (RB, GB), 1)
    unsel = (ug == gg).astype(jnp.float32)

    poolf = jnp.dot(sel, hf, preferred_element_type=jnp.float32) / 100.0
    poolr = jnp.dot(sel, hr, preferred_element_type=jnp.float32) / 100.0

    wl1 = wl1_r[...]
    gproj = (jnp.dot(poolf, wl1[128:256], preferred_element_type=jnp.float32)
             + jnp.dot(poolr, wl1[384:512],
                       preferred_element_type=jnp.float32))
    z = (jnp.dot(hf, wl1[0:128], preferred_element_type=jnp.float32)
         + jnp.dot(hr, wl1[256:384], preferred_element_type=jnp.float32)
         + jnp.dot(unsel, gproj, preferred_element_type=jnp.float32)
         + bl1_r[...])
    z = jnp.maximum(z, 0.0)

    wl2 = wl2_r[...]
    z2 = (jnp.dot(z, wl2[0:128], preferred_element_type=jnp.float32)
          + jnp.dot(xb, wl2[128:256], preferred_element_type=jnp.float32)
          + bl2_r[...])
    z2 = jnp.maximum(z2, 0.0)

    out_r[...] = jnp.dot(z2, wa_r[...],
                         preferred_element_type=jnp.float32) + ba_r[...]


def _full(shape):
    return pl.BlockSpec(shape, lambda i: (0, 0))


_dense = pl.pallas_call(
    _dense_body,
    grid=(N_NODES // RB,),
    in_specs=[
        pl.BlockSpec((RB, F), lambda i: (i, 0)),
        pl.BlockSpec((RB, F), lambda i: (i, 0)),
        pl.BlockSpec((RB, F), lambda i: (i, 0)),
        _full((F, F)), _full((1, F)), _full((F, F)), _full((1, F)),
        _full((F, F)), _full((1, F)), _full((F, F)), _full((1, F)),
        _full((4 * F, F)), _full((1, F)),
        _full((2 * F, F)), _full((1, F)),
        _full((F, 1)), _full((1, 1)),
    ],
    out_specs=pl.BlockSpec((RB, 1), lambda i: (i, 0)),
    out_shape=jax.ShapeDtypeStruct((N_NODES, 1), jnp.float32),
)


def _sample_body(lg_r, pen_r, gum_r, offs_r, samp_r, la_r):
    v = lg_r[...] - pen_r[...]
    m = jnp.max(v, axis=1, keepdims=True)
    e = jnp.exp(v - m)
    probs = e / jnp.sum(e, axis=1, keepdims=True)
    t = jnp.log(probs + 1e-20) + gum_r[...]
    tm = jnp.max(t, axis=1, keepdims=True)
    col = lax.broadcasted_iota(jnp.int32, (NG, NPG), 1)
    idx = jnp.min(jnp.where(t == tm, col, jnp.int32(2**30)), axis=1,
                  keepdims=True)
    p_sel = jnp.sum(jnp.where(col == idx, probs, 0.0), axis=1, keepdims=True)
    samp_r[...] = idx + offs_r[...]
    la_r[...] = jnp.log(p_sel)


_sample = pl.pallas_call(
    _sample_body,
    out_shape=(jax.ShapeDtypeStruct((NG, 1), jnp.int32),
               jax.ShapeDtypeStruct((NG, 1), jnp.float32)),
)


def kernel(x, edge_index, batch, mask, graph_id_offset,
           W1a, b1a, W2a, b2a, W1b, b1b, W2b, b2b,
           Wl1, bl1, Wl2, bl2, Wa, ba):
    zeros = jnp.zeros((N_NODES, F), jnp.float32)
    ei2 = edge_index.astype(jnp.int32).reshape(2 * N_EDGES)
    agg = _get_sc_agg()(x, ei2, zeros)

    logits = _dense(x, agg[0], agg[1],
                    W1a, b1a.reshape(1, F), W2a, b2a.reshape(1, F),
                    W1b, b1b.reshape(1, F), W2b, b2b.reshape(1, F),
                    Wl1, bl1.reshape(1, F), Wl2, bl2.reshape(1, F),
                    Wa, ba.reshape(1, 1))

    lg = logits.reshape(NG, NPG)
    pen = jnp.where(mask, 0.0, 1e10).astype(jnp.float32).reshape(NG, NPG)
    gum = jax.random.gumbel(jax.random.key(42), (NG, NPG), jnp.float32)
    samp, la = _sample(lg, pen, gum, graph_id_offset.reshape(NG, 1))
    return samp.reshape(NG), la.reshape(NG)

# --- scband reference (transcript-rebuilt; emitter-appended) ---
"""Pipeline reference for scband-actor-16243566313858 (READ-ONLY COPY).

The authoritative reference and input builder live on the scoring server;
editing this copy changes nothing except your own understanding.
"""

import jax, jax.numpy as jnp
import numpy as np

N_NODES = 10000
N_GRAPHS = 100
NODES_PER_GRAPH = 100
N_EDGES = 320000
N_FEAT = 128
HID = 128


def setup_inputs(seed: int = 0) -> dict:
    key = jax.random.key(seed)
    ks = jax.random.split(key, 20)
    x = jax.random.normal(ks[0], (N_NODES, N_FEAT), dtype=jnp.float32)
    edge_index = jax.random.randint(ks[1], (2, N_EDGES), 0, N_NODES)
    batch = jnp.repeat(jnp.arange(N_GRAPHS), NODES_PER_GRAPH)
    mask = jnp.ones((N_NODES,), dtype=bool)
    graph_id_offset = jnp.arange(N_GRAPHS) * NODES_PER_GRAPH

    def lin(k, fin, fout):
        return jax.random.normal(k, (fin, fout), dtype=jnp.float32) * 0.05

    inp = {
        'x': x, 'edge_index': edge_index, 'batch': batch, 'mask': mask,
        'graph_id_offset': graph_id_offset,
        'W1a': lin(ks[2], N_FEAT, HID), 'b1a': jnp.zeros((HID,), jnp.float32),
        'W2a': lin(ks[3], HID, HID), 'b2a': jnp.zeros((HID,), jnp.float32),
        'W1b': lin(ks[4], N_FEAT, HID), 'b1b': jnp.zeros((HID,), jnp.float32),
        'W2b': lin(ks[5], HID, HID), 'b2b': jnp.zeros((HID,), jnp.float32),
        'Wl1': lin(ks[6], HID * 4, HID), 'bl1': jnp.zeros((HID,), jnp.float32),
        'Wl2': lin(ks[7], HID + N_FEAT, HID), 'bl2': jnp.zeros((HID,), jnp.float32),
        'Wa': lin(ks[8], HID, 1), 'ba': jnp.zeros((1,), jnp.float32),
    }
    return inp


def reference(x, edge_index, batch, mask, graph_id_offset,
              W1a, b1a, W2a, b2a, W1b, b1b, W2b, b2b,
              Wl1, bl1, Wl2, bl2, Wa, ba):
    num_graphs = graph_id_offset.shape[0]
    npg = x.shape[0] // num_graphs

    def gin(W1, b1, W2, b2, reverse):
        src = edge_index[1] if reverse else edge_index[0]
        dst = edge_index[0] if reverse else edge_index[1]
        agg = jnp.zeros_like(x).at[dst].add(x[src])  # GIN sum aggregation (eps=0)
        h = x + agg
        h = jax.nn.relu(h @ W1 + b1)
        h = h @ W2 + b2
        pool_sum = jax.ops.segment_sum(h, batch, num_segments=num_graphs)
        cnt = jax.ops.segment_sum(jnp.ones((x.shape[0],), h.dtype), batch, num_segments=num_graphs)
        pool = pool_sum / cnt[:, None]
        return pool, h

    x_pool, h = gin(W1a, b1a, W2a, b2a, False)
    x_pool_b, h_b = gin(W1b, b1b, W2b, b2b, True)

    # repeat_interleave graph embeddings back to node granularity == gather by batch id
    graph_embedding = x_pool[batch]
    graph_embedding_b = x_pool_b[batch]

    final_embed = jnp.concatenate([h, graph_embedding, h_b, graph_embedding_b], axis=1)
    z = jax.nn.relu(final_embed @ Wl1 + bl1)
    z = jnp.concatenate([z, x], axis=1)
    z = jax.nn.relu(z @ Wl2 + bl2)
    logits = (z @ Wa + ba).squeeze(-1)

    penalty = jnp.where(mask, 0.0, 1e10)
    logits = logits - penalty

    # per-graph softmax (equal-size graphs -> reshape == unbatch+stack)
    lg = logits.reshape(num_graphs, npg)
    probs = jax.nn.softmax(lg, axis=1)

    sample = jax.random.categorical(jax.random.key(42), jnp.log(probs + 1e-20), axis=1)
    log_actions = jnp.log(jnp.take_along_axis(probs, sample[:, None], axis=1)).squeeze(-1)
    sample_out = sample + graph_id_offset
    return sample_out, log_actions

if __name__ == "__main__":
    import jax
    _d = setup_inputs()
    print(jax.jit(kernel)(*tuple(_d.values())))

</pallas_src>

<mosaic_0001>
#map = affine_map<(d0, d1) -> (0, 0)>
#map1 = affine_map<(d0, d1) -> (0)>
#map2 = affine_map<(d0, d1) -> (0, 0, 0)>
module attributes {stable_mosaic.version = 14 : i64} {
  func.func @_sc_agg_body(%arg0: i32, %arg1: i32, %arg2: memref<10000x128xf32, #tpu.memory_space<hbm>>, %arg3: memref<640000xi32, #tpu.memory_space<hbm>>, %arg4: memref<10000x128xf32, #tpu.memory_space<hbm>>, %arg5: memref<2x10000x128xf32, #tpu.memory_space<hbm>>, %arg6: memref<80xi32, #tpu.memory_space<vmem>>, %arg7: memref<80xi32, #tpu.memory_space<vmem>>, %arg8: memref<80xi32, #tpu.memory_space<vmem>>, %arg9: memref<80xi32, #tpu.memory_space<vmem>>, %arg10: memref<80xi32, #tpu.memory_space<vmem>>, %arg11: memref<80xi32, #tpu.memory_space<vmem>>, %arg12: memref<80xi32, #tpu.memory_space<vmem>>, %arg13: memref<80xi32, #tpu.memory_space<vmem>>, %arg14: memref<80x128xf32, #tpu.memory_space<vmem>>, %arg15: memref<80x128xf32, #tpu.memory_space<vmem>>, %arg16: memref<80x128xf32, #tpu.memory_space<vmem>>, %arg17: memref<80x128xf32, #tpu.memory_space<vmem>>, %arg18: memref<10000x128xf32, #tpu.memory_space<vmem_shared>>, %arg19: memref<!tpu.dma_semaphore, #tpu.memory_space<semaphore_mem>>, %arg20: memref<!tpu.dma_semaphore, #tpu.memory_space<semaphore_mem>>, %arg21: memref<!tpu.dma_semaphore, #tpu.memory_space<semaphore_mem>>, %arg22: memref<!tpu.dma_semaphore, #tpu.memory_space<semaphore_mem>>, %arg23: memref<!tpu.dma_semaphore, #tpu.memory_space<semaphore_mem>>, %arg24: memref<!tpu.dma_semaphore, #tpu.memory_space<semaphore_mem>>, %arg25: memref<!tpu.dma_semaphore, #tpu.memory_space<semaphore_mem>>, %arg26: memref<!tpu.dma_semaphore, #tpu.memory_space<semaphore_mem>>, %arg27: memref<!tpu.dma_semaphore, #tpu.memory_space<semaphore_mem>>, %arg28: memref<!tpu.dma_semaphore, #tpu.memory_space<semaphore_mem>>, %arg29: memref<!tpu.dma_semaphore, #tpu.memory_space<semaphore_mem>>, %arg30: memref<!tpu.dma_semaphore, #tpu.memory_space<semaphore_mem>>) attributes {dimension_semantics = [#tpu.dimension_semantics<core_parallel>, #tpu.dimension_semantics<subcore_parallel>], iteration_bounds = array<i64: 2, 16>, scalar_prefetch = 0 : i64, scratch_operands = 25 : i64, tpu.core_type = #tpu.core_type<sc_vector_subcore>, window_params = [{transform_indices = #map}, {transform_indices = #map1}, {transform_indices = #map}, {transform_indices = #map2}]} {
    %mul3A = arith.constant 624 : i32
    %mul3A_0 = arith.muli %arg1, %mul3A : i32
    %mul3A_1 = arith.constant 624 : i32
    %mul3A_2 = arith.muli %arg1, %mul3A_1 : i32
    "tpu.region"() ({
      %run_scoped3A = tpu.sem_alloc : memref<!tpu.dma_semaphore, #tpu.memory_space<semaphore_mem>>
      %dma_start3A_82 = arith.constant 0 : i32
      %dma_start3A_83 = tpu.memref_slice %arg18[%mul3A_2, %dma_start3A_82] : memref<10000x128xf32, #tpu.memory_space<vmem_shared>> -> memref<624x128xf32, #tpu.memory_space<vmem_shared>>
      %dma_start3A_84 = arith.constant 0 : i32
      %dma_start3A_85 = tpu.memref_slice %arg4[%mul3A_0, %dma_start3A_84] : memref<10000x128xf32, #tpu.memory_space<hbm>> -> memref<624x128xf32, #tpu.memory_space<hbm>>
      tpu.enqueue_dma source(%dma_start3A_85 : memref<624x128xf32, #tpu.memory_space<hbm>>) target(%dma_start3A_83 : memref<624x128xf32, #tpu.memory_space<vmem_shared>>) target_semaphore(%run_scoped3A : memref<!tpu.dma_semaphore, #tpu.memory_space<semaphore_mem>>)
      %dma_wait3A_86 = arith.constant 0 : i32
      %dma_wait3A_87 = tpu.memref_slice %arg18[%mul3A_2, %dma_wait3A_86] : memref<10000x128xf32, #tpu.memory_space<vmem_shared>> -> memref<624x128xf32, #tpu.memory_space<vmem_shared>>
      %dma_wait3A_88 = arith.constant 0 : i32
      %dma_wait3A_89 = tpu.memref_slice %arg4[%mul3A_0, %dma_wait3A_88] : memref<10000x128xf32, #tpu.memory_space<hbm>> -> memref<624x128xf32, #tpu.memory_space<hbm>>
      tpu.wait_dma2 semaphore(%run_scoped3A : memref<!tpu.dma_semaphore, #tpu.memory_space<semaphore_mem>>) src(%dma_wait3A_89 : memref<624x128xf32, #tpu.memory_space<hbm>>) dst(%dma_wait3A_87 : memref<624x128xf32, #tpu.memory_space<vmem_shared>>)
      tpu.yield
    }) : () -> ()
    %eq3A = arith.constant 0 : i32
    %eq3A_3 = arith.cmpi eq, %arg1, %eq3A : i32
    %convert_element_type3A = arith.extui %eq3A_3 : i1 to i32
    %cond3A = arith.constant 0 : i32
    %cond3A_4 = arith.cmpi ne, %convert_element_type3A, %cond3A : i32
    scf.if %cond3A_4 {
      "tpu.region"() ({
        %run_scoped3A = tpu.sem_alloc : memref<!tpu.dma_semaphore, #tpu.memory_space<semaphore_mem>>
        %dma_start3A_82 = arith.constant 9984 : i32
        %dma_start3A_83 = arith.constant 0 : i32
        %dma_start3A_84 = tpu.memref_slice %arg18[%dma_start3A_82, %dma_start3A_83] : memref<10000x128xf32, #tpu.memory_space<vmem_shared>> -> memref<16x128xf32, #tpu.memory_space<vmem_shared>>
        %dma_start3A_85 = arith.constant 9984 : i32
        %dma_start3A_86 = arith.constant 0 : i32
        %dma_start3A_87 = tpu.memref_slice %arg4[%dma_start3A_85, %dma_start3A_86] : memref<10000x128xf32, #tpu.memory_space<hbm>> -> memref<16x128xf32, #tpu.memory_space<hbm>>
        tpu.enqueue_dma source(%dma_start3A_87 : memref<16x128xf32, #tpu.memory_space<hbm>>) target(%dma_start3A_84 : memref<16x128xf32, #tpu.memory_space<vmem_shared>>) target_semaphore(%run_scoped3A : memref<!tpu.dma_semaphore, #tpu.memory_space<semaphore_mem>>)
        %dma_wait3A_88 = arith.constant 9984 : i32
        %dma_wait3A_89 = arith.constant 0 : i32
        %dma_wait3A_90 = tpu.memref_slice %arg18[%dma_wait3A_88, %dma_wait3A_89] : memref<10000x128xf32, #tpu.memory_space<vmem_shared>> -> memref<16x128xf32, #tpu.memory_space<vmem_shared>>
        %dma_wait3A_91 = arith.constant 9984 : i32
        %dma_wait3A_92 = arith.constant 0 : i32
        %dma_wait3A_93 = tpu.memref_slice %arg4[%dma_wait3A_91, %dma_wait3A_92] : memref<10000x128xf32, #tpu.memory_space<hbm>> -> memref<16x128xf32, #tpu.memory_space<hbm>>
        tpu.wait_dma2 semaphore(%run_scoped3A : memref<!tpu.dma_semaphore, #tpu.memory_space<semaphore_mem>>) src(%dma_wait3A_93 : memref<16x128xf32, #tpu.memory_space<hbm>>) dst(%dma_wait3A_90 : memref<16x128xf32, #tpu.memory_space<vmem_shared>>)
        tpu.yield
      }) : () -> ()
    } else {
    }
    %mul3A_5 = arith.constant 16 : i32
    %mul3A_6 = arith.muli %arg0, %mul3A_5 : i32
    %add3A = arith.addi %mul3A_6, %arg1 : i32
    %mul3A_7 = arith.constant 20000 : i32
    %mul3A_8 = arith.muli %add3A, %mul3A_7 : i32
    %sub3A = arith.constant 1 : i32
    %sub3A_9 = arith.subi %sub3A, %arg0 : i32
    %mul3A_10 = arith.constant 16 : i32
    %mul3A_11 = arith.muli %sub3A_9, %mul3A_10 : i32
    %add3A_12 = arith.addi %mul3A_11, %arg1 : i32
    %mul3A_13 = arith.constant 20000 : i32
    %mul3A_14 = arith.muli %add3A_12, %mul3A_13 : i32
    %barrier3A = arith.constant 0 : index
    tpu.barrier barrier_id(%barrier3A)
    %add3A_15 = arith.constant 0 : i32
    %add3A_16 = arith.addi %mul3A_8, %add3A_15 : i32
    %dma_start3A = tpu.memref_slice %arg3[%add3A_16] : memref<640000xi32, #tpu.memory_space<hbm>> -> memref<80xi32, #tpu.memory_space<hbm>>
    %dma_start3A_17 = tpu.memref_slice %arg3[%add3A_16] : memref<640000xi32, #tpu.memory_space<hbm>> -> memref<80xi32, #tpu.memory_space<hbm>>
    tpu.enqueue_dma source(%dma_start3A_17 : memref<80xi32, #tpu.memory_space<hbm>>) target(%arg6 : memref<80xi32, #tpu.memory_space<vmem>>) target_semaphore(%arg19 : memref<!tpu.dma_semaphore, #tpu.memory_space<semaphore_mem>>)
    %add3A_18 = arith.constant 0 : i32
    %add3A_19 = arith.addi %mul3A_14, %add3A_18 : i32
    %dma_start3A_20 = tpu.memref_slice %arg3[%add3A_19] : memref<640000xi32, #tpu.memory_space<hbm>> -> memref<80xi32, #tpu.memory_space<hbm>>
    %dma_start3A_21 = tpu.memref_slice %arg3[%add3A_19] : memref<640000xi32, #tpu.memory_space<hbm>> -> memref<80xi32, #tpu.memory_space<hbm>>
    tpu.enqueue_dma source(%dma_start3A_21 : memref<80xi32, #tpu.memory_space<hbm>>) target(%arg7 : memref<80xi32, #tpu.memory_space<vmem>>) target_semaphore(%arg19 : memref<!tpu.dma_semaphore, #tpu.memory_space<semaphore_mem>>)
    %add3A_22 = arith.constant 80 : i32
    %add3A_23 = arith.addi %mul3A_8, %add3A_22 : i32
    %dma_start3A_24 = tpu.memref_slice %arg3[%add3A_23] : memref<640000xi32, #tpu.memory_space<hbm>> -> memref<80xi32, #tpu.memory_space<hbm>>
    %dma_start3A_25 = tpu.memref_slice %arg3[%add3A_23] : memref<640000xi32, #tpu.memory_space<hbm>> -> memref<80xi32, #tpu.memory_space<hbm>>
    tpu.enqueue_dma source(%dma_start3A_25 : memref<80xi32, #tpu.memory_space<hbm>>) target(%arg8 : memref<80xi32, #tpu.memory_space<vmem>>) target_semaphore(%arg20 : memref<!tpu.dma_semaphore, #tpu.memory_space<semaphore_mem>>)
    %add3A_26 = arith.constant 80 : i32
    %add3A_27 = arith.addi %mul3A_14, %add3A_26 : i32
    %dma_start3A_28 = tpu.memref_slice %arg3[%add3A_27] : memref<640000xi32, #tpu.memory_space<hbm>> -> memref<80xi32, #tpu.memory_space<hbm>>
    %dma_start3A_29 = tpu.memref_slice %arg3[%add3A_27] : memref<640000xi32, #tpu.memory_space<hbm>> -> memref<80xi32, #tpu.memory_space<hbm>>
    tpu.enqueue_dma source(%dma_start3A_29 : memref<80xi32, #tpu.memory_space<hbm>>) target(%arg9 : memref<80xi32, #tpu.memory_space<vmem>>) target_semaphore(%arg20 : memref<!tpu.dma_semaphore, #tpu.memory_space<semaphore_mem>>)
    %dma_wait3A = tpu.memref_slice %arg3[%mul3A_8] : memref<640000xi32, #tpu.memory_space<hbm>> -> memref<80xi32, #tpu.memory_space<hbm>>
    %dma_wait3A_30 = tpu.memref_slice %arg3[%mul3A_8] : memref<640000xi32, #tpu.memory_space<hbm>> -> memref<80xi32, #tpu.memory_space<hbm>>
    tpu.wait_dma2 semaphore(%arg19 : memref<!tpu.dma_semaphore, #tpu.memory_space<semaphore_mem>>) src(%dma_wait3A_30 : memref<80xi32, #tpu.memory_space<hbm>>) dst(%arg6 : memref<80xi32, #tpu.memory_space<vmem>>)
    %dma_wait3A_31 = tpu.memref_slice %arg3[%mul3A_14] : memref<640000xi32, #tpu.memory_space<hbm>> -> memref<80xi32, #tpu.memory_space<hbm>>
    %dma_wait3A_32 = tpu.memref_slice %arg3[%mul3A_14] : memref<640000xi32, #tpu.memory_space<hbm>> -> memref<80xi32, #tpu.memory_space<hbm>>
    tpu.wait_dma2 semaphore(%arg19 : memref<!tpu.dma_semaphore, #tpu.memory_space<semaphore_mem>>) src(%dma_wait3A_32 : memref<80xi32, #tpu.memory_space<hbm>>) dst(%arg7 : memref<80xi32, #tpu.memory_space<vmem>>)
    %dma_start3A_33 = arith.constant 0 : i32
    %dma_start3A_34 = arith.constant 0 : i32
    %dma_start3A_35 = tpu.memref_slice %arg2[%dma_start3A_33, %dma_start3A_34] : memref<10000x128xf32, #tpu.memory_space<hbm>> -> memref<10000x128xf32, #tpu.memory_space<hbm>>
    tpu.enqueue_indirect_dma source(%dma_start3A_35 : memref<10000x128xf32, #tpu.memory_space<hbm>>) target(%arg14 : memref<80x128xf32, #tpu.memory_space<vmem>>) offsets(%arg6 : memref<80xi32, #tpu.memory_space<vmem>>) semaphore(%arg23 : memref<!tpu.dma_semaphore, #tpu.memory_space<semaphore_mem>>)
    %dma_wait3A_36 = tpu.memref_slice %arg3[%mul3A_8] : memref<640000xi32, #tpu.memory_space<hbm>> -> memref<80xi32, #tpu.memory_space<hbm>>
    %dma_wait3A_37 = tpu.memref_slice %arg3[%mul3A_8] : memref<640000xi32, #tpu.memory_space<hbm>> -> memref<80xi32, #tpu.memory_space<hbm>>
    tpu.wait_dma2 semaphore(%arg20 : memref<!tpu.dma_semaphore, #tpu.memory_space<semaphore_mem>>) src(%dma_wait3A_37 : memref<80xi32, #tpu.memory_space<hbm>>) dst(%arg8 : memref<80xi32, #tpu.memory_space<vmem>>)
    %dma_wait3A_38 = tpu.memref_slice %arg3[%mul3A_14] : memref<640000xi32, #tpu.memory_space<hbm>> -> memref<80xi32, #tpu.memory_space<hbm>>
    %dma_wait3A_39 = tpu.memref_slice %arg3[%mul3A_14] : memref<640000xi32, #tpu.memory_space<hbm>> -> memref<80xi32, #tpu.memory_space<hbm>>
    tpu.wait_dma2 semaphore(%arg20 : memref<!tpu.dma_semaphore, #tpu.memory_space<semaphore_mem>>) src(%dma_wait3A_39 : memref<80xi32, #tpu.memory_space<hbm>>) dst(%arg9 : memref<80xi32, #tpu.memory_space<vmem>>)
    %dma_start3A_40 = arith.constant 0 : i32
    %dma_start3A_41 = arith.constant 0 : i32
    %dma_start3A_42 = tpu.memref_slice %arg2[%dma_start3A_40, %dma_start3A_41] : memref<10000x128xf32, #tpu.memory_space<hbm>> -> memref<10000x128xf32, #tpu.memory_space<hbm>>
    tpu.enqueue_indirect_dma source(%dma_start3A_42 : memref<10000x128xf32, #tpu.memory_space<hbm>>) target(%arg15 : memref<80x128xf32, #tpu.memory_space<vmem>>) offsets(%arg8 : memref<80xi32, #tpu.memory_space<vmem>>) semaphore(%arg24 : memref<!tpu.dma_semaphore, #tpu.memory_space<semaphore_mem>>)
    %scan3A = arith.constant 0 : i32
    %scan3A_43 = arith.constant 0 : i32
    %scan3A_44 = arith.constant 62 : i32
    %scan3A_45 = arith.addi %scan3A_43, %scan3A_44 : i32
    %scan3A_46 = arith.constant 1 : i32
    scf.for %scan3A_82 = %scan3A_43 to %scan3A_45 step %scan3A_46  : i32 {
      %mul3A_83 = arith.constant 4 : i32
      %mul3A_84 = arith.muli %mul3A_83, %scan3A_82 : i32
      %gt3A = arith.constant 0 : i32
      %gt3A_85 = arith.cmpi sgt, %scan3A_82, %gt3A : i32
      %convert_element_type3A_86 = arith.extui %gt3A_85 : i1 to i32
      %cond3A_87 = arith.constant 0 : i32
      %cond3A_88 = arith.cmpi ne, %convert_element_type3A_86, %cond3A_87 : i32
      scf.if %cond3A_88 {
        %dma_wait3A_200 = arith.constant 0 : i32
        %dma_wait3A_201 = arith.constant 0 : i32
        %dma_wait3A_202 = tpu.memref_slice %arg18[%dma_wait3A_200, %dma_wait3A_201] : memref<10000x128xf32, #tpu.memory_space<vmem_shared>> -> memref<10000x128xf32, #tpu.memory_space<vmem_shared>>
        tpu.wait_indirect_dma semaphore(%arg29 : memref<!tpu.dma_semaphore, #tpu.memory_space<semaphore_mem>>) src(%arg16 : memref<80x128xf32, #tpu.memory_space<vmem>>) dst(%dma_wait3A_202 : memref<10000x128xf32, #tpu.memory_space<vmem_shared>>)
      } else {
      }
      %add3A_89 = arith.constant 0 : i32
      %add3A_90 = arith.addi %mul3A_84, %add3A_89 : i32
      %add3A_91 = arith.constant 2 : i32
      %add3A_92 = arith.addi %add3A_90, %add3A_91 : i32
      %mul3A_93 = arith.constant 80 : i32
      %mul3A_94 = arith.muli %add3A_92, %mul3A_93 : i32
      %add3A_95 = arith.addi %mul3A_8, %mul3A_94 : i32
      %dma_start3A_96 = tpu.memref_slice %arg3[%add3A_95] : memref<640000xi32, #tpu.memory_space<hbm>> -> memref<80xi32, #tpu.memory_space<hbm>>
      %dma_start3A_97 = tpu.memref_slice %arg3[%add3A_95] : memref<640000xi32, #tpu.memory_space<hbm>> -> memref<80xi32, #tpu.memory_space<hbm>>
      tpu.enqueue_dma source(%dma_start3A_97 : memref<80xi32, #tpu.memory_space<hbm>>) target(%arg10 : memref<80xi32, #tpu.memory_space<vmem>>) target_semaphore(%arg21 : memref<!tpu.dma_semaphore, #tpu.memory_space<semaphore_mem>>)
      %add3A_98 = arith.addi %mul3A_14, %mul3A_94 : i32
      %dma_start3A_99 = tpu.memref_slice %arg3[%add3A_98] : memref<640000xi32, #tpu.memory_space<hbm>> -> memref<80xi32, #tpu.memory_space<hbm>>
      %dma_start3A_100 = tpu.memref_slice %arg3[%add3A_98] : memref<640000xi32, #tpu.memory_space<hbm>> -> memref<80xi32, #tpu.memory_space<hbm>>
      tpu.enqueue_dma source(%dma_start3A_100 : memref<80xi32, #tpu.memory_space<hbm>>) target(%arg11 : memref<80xi32, #tpu.memory_space<vmem>>) target_semaphore(%arg21 : memref<!tpu.dma_semaphore, #tpu.memory_space<semaphore_mem>>)
      %dma_wait3A_101 = arith.constant 0 : i32
      %dma_wait3A_102 = arith.constant 0 : i32
      %dma_wait3A_103 = tpu.memref_slice %arg2[%dma_wait3A_101, %dma_wait3A_102] : memref<10000x128xf32, #tpu.memory_space<hbm>> -> memref<10000x128xf32, #tpu.memory_space<hbm>>
      tpu.wait_indirect_dma semaphore(%arg23 : memref<!tpu.dma_semaphore, #tpu.memory_space<semaphore_mem>>) src(%dma_wait3A_103 : memref<10000x128xf32, #tpu.memory_space<hbm>>) dst(%arg14 : memref<80x128xf32, #tpu.memory_space<vmem>>)
      %dma_start3A_104 = arith.constant 0 : i32
      %dma_start3A_105 = arith.constant 0 : i32
      %dma_start3A_106 = tpu.memref_slice %arg18[%dma_start3A_104, %dma_start3A_105] : memref<10000x128xf32, #tpu.memory_space<vmem_shared>> -> memref<10000x128xf32, #tpu.memory_space<vmem_shared>>
      tpu.enqueue_indirect_dma source(%arg14 : memref<80x128xf32, #tpu.memory_space<vmem>>) target(%dma_start3A_106 : memref<10000x128xf32, #tpu.memory_space<vmem_shared>>) offsets(%arg7 : memref<80xi32, #tpu.memory_space<vmem>>) semaphore(%arg27 : memref<!tpu.dma_semaphore, #tpu.memory_space<semaphore_mem>>) {add = true}
      %dma_wait3A_107 = tpu.memref_slice %arg3[%mul3A_8] : memref<640000xi32, #tpu.memory_space<hbm>> -> memref<80xi32, #tpu.memory_space<hbm>>
      %dma_wait3A_108 = tpu.memref_slice %arg3[%mul3A_8] : memref<640000xi32, #tpu.memory_space<hbm>> -> memref<80xi32, #tpu.memory_space<hbm>>
      tpu.wait_dma2 semaphore(%arg21 : memref<!tpu.dma_semaphore, #tpu.memory_space<semaphore_mem>>) src(%dma_wait3A_108 : memref<80xi32, #tpu.memory_space<hbm>>) dst(%arg10 : memref<80xi32, #tpu.memory_space<vmem>>)
      %dma_wait3A_109 = tpu.memref_slice %arg3[%mul3A_14] : memref<640000xi32, #tpu.memory_space<hbm>> -> memref<80xi32, #tpu.memory_space<hbm>>
      %dma_wait3A_110 = tpu.memref_slice %arg3[%mul3A_14] : memref<640000xi32, #tpu.memory_space<hbm>> -> memref<80xi32, #tpu.memory_space<hbm>>
      tpu.wait_dma2 semaphore(%arg21 : memref<!tpu.dma_semaphore, #tpu.memory_space<semaphore_mem>>) src(%dma_wait3A_110 : memref<80xi32, #tpu.memory_space<hbm>>) dst(%arg11 : memref<80xi32, #tpu.memory_space<vmem>>)
      %dma_start3A_111 = arith.constant 0 : i32
      %dma_start3A_112 = arith.constant 0 : i32
      %dma_start3A_113 = tpu.memref_slice %arg2[%dma_start3A_111, %dma_start3A_112] : memref<10000x128xf32, #tpu.memory_space<hbm>> -> memref<10000x128xf32, #tpu.memory_space<hbm>>
      tpu.enqueue_indirect_dma source(%dma_start3A_113 : memref<10000x128xf32, #tpu.memory_space<hbm>>) target(%arg16 : memref<80x128xf32, #tpu.memory_space<vmem>>) offsets(%arg10 : memref<80xi32, #tpu.memory_space<vmem>>) semaphore(%arg25 : memref<!tpu.dma_semaphore, #tpu.memory_space<semaphore_mem>>)
      %gt3A_114 = arith.constant 0 : i32
      %gt3A_115 = arith.cmpi sgt, %scan3A_82, %gt3A_114 : i32
      %convert_element_type3A_116 = arith.extui %gt3A_115 : i1 to i32
      %cond3A_117 = arith.constant 0 : i32
      %cond3A_118 = arith.cmpi ne, %convert_element_type3A_116, %cond3A_117 : i32
      scf.if %cond3A_118 {
        %dma_wait3A_200 = arith.constant 0 : i32
        %dma_wait3A_201 = arith.constant 0 : i32
        %dma_wait3A_202 = tpu.memref_slice %arg18[%dma_wait3A_200, %dma_wait3A_201] : memref<10000x128xf32, #tpu.memory_space<vmem_shared>> -> memref<10000x128xf32, #tpu.memory_space<vmem_shared>>
        tpu.wait_indirect_dma semaphore(%arg30 : memref<!tpu.dma_semaphore, #tpu.memory_space<semaphore_mem>>) src(%arg17 : memref<80x128xf32, #tpu.memory_space<vmem>>) dst(%dma_wait3A_202 : memref<10000x128xf32, #tpu.memory_space<vmem_shared>>)
      } else {
      }
      %add3A_119 = arith.constant 1 : i32
      %add3A_120 = arith.addi %mul3A_84, %add3A_119 : i32
      %add3A_121 = arith.constant 2 : i32
      %add3A_122 = arith.addi %add3A_120, %add3A_121 : i32
      %mul3A_123 = arith.constant 80 : i32
      %mul3A_124 = arith.muli %add3A_122, %mul3A_123 : i32
      %add3A_125 = arith.addi %mul3A_8, %mul3A_124 : i32
      %dma_start3A_126 = tpu.memref_slice %arg3[%add3A_125] : memref<640000xi32, #tpu.memory_space<hbm>> -> memref<80xi32, #tpu.memory_space<hbm>>
      %dma_start3A_127 = tpu.memref_slice %arg3[%add3A_125] : memref<640000xi32, #tpu.memory_space<hbm>> -> memref<80xi32, #tpu.memory_space<hbm>>
      tpu.enqueue_dma source(%dma_start3A_127 : memref<80xi32, #tpu.memory_space<hbm>>) target(%arg12 : memref<80xi32, #tpu.memory_space<vmem>>) target_semaphore(%arg22 : memref<!tpu.dma_semaphore, #tpu.memory_space<semaphore_mem>>)
      %add3A_128 = arith.addi %mul3A_14, %mul3A_124 : i32
      %dma_start3A_129 = tpu.memref_slice %arg3[%add3A_128] : memref<640000xi32, #tpu.memory_space<hbm>> -> memref<80xi32, #tpu.memory_space<hbm>>
      %dma_start3A_130 = tpu.memref_slice %arg3[%add3A_128] : memref<640000xi32, #tpu.memory_space<hbm>> -> memref<80xi32, #tpu.memory_space<hbm>>
      tpu.enqueue_dma source(%dma_start3A_130 : memref<80xi32, #tpu.memory_space<hbm>>) target(%arg13 : memref<80xi32, #tpu.memory_space<vmem>>) target_semaphore(%arg22 : memref<!tpu.dma_semaphore, #tpu.memory_space<semaphore_mem>>)
      %dma_wait3A_131 = arith.constant 0 : i32
      %dma_wait3A_132 = arith.constant 0 : i32
      %dma_wait3A_133 = tpu.memref_slice %arg2[%dma_wait3A_131, %dma_wait3A_132] : memref<10000x128xf32, #tpu.memory_space<hbm>> -> memref<10000x128xf32, #tpu.memory_space<hbm>>
      tpu.wait_indirect_dma semaphore(%arg24 : memref<!tpu.dma_semaphore, #tpu.memory_space<semaphore_mem>>) src(%dma_wait3A_133 : memref<10000x128xf32, #tpu.memory_space<hbm>>) dst(%arg15 : memref<80x128xf32, #tpu.memory_space<vmem>>)
      %dma_start3A_134 = arith.constant 0 : i32
      %dma_start3A_135 = arith.constant 0 : i32
      %dma_start3A_136 = tpu.memref_slice %arg18[%dma_start3A_134, %dma_start3A_135] : memref<10000x128xf32, #tpu.memory_space<vmem_shared>> -> memref<10000x128xf32, #tpu.memory_space<vmem_shared>>
      tpu.enqueue_indirect_dma source(%arg15 : memref<80x128xf32, #tpu.memory_space<vmem>>) target(%dma_start3A_136 : memref<10000x128xf32, #tpu.memory_space<vmem_shared>>) offsets(%arg9 : memref<80xi32, #tpu.memory_space<vmem>>) semaphore(%arg28 : memref<!tpu.dma_semaphore, #tpu.memory_space<semaphore_mem>>) {add = true}
      %dma_wait3A_137 = tpu.memref_slice %arg3[%mul3A_8] : memref<640000xi32, #tpu.memory_space<hbm>> -> memref<80xi32, #tpu.memory_space<hbm>>
      %dma_wait3A_138 = tpu.memref_slice %arg3[%mul3A_8] : memref<640000xi32, #tpu.memory_space<hbm>> -> memref<80xi32, #tpu.memory_space<hbm>>
      tpu.wait_dma2 semaphore(%arg22 : memref<!tpu.dma_semaphore, #tpu.memory_space<semaphore_mem>>) src(%dma_wait3A_138 : memref<80xi32, #tpu.memory_space<hbm>>) dst(%arg12 : memref<80xi32, #tpu.memory_space<vmem>>)
      %dma_wait3A_139 = tpu.memref_slice %arg3[%mul3A_14] : memref<640000xi32, #tpu.memory_space<hbm>> -> memref<80xi32, #tpu.memory_space<hbm>>
      %dma_wait3A_140 = tpu.memref_slice %arg3[%mul3A_14] : memref<640000xi32, #tpu.memory_space<hbm>> -> memref<80xi32, #tpu.memory_space<hbm>>
      tpu.wait_dma2 semaphore(%arg22 : memref<!tpu.dma_semaphore, #tpu.memory_space<semaphore_mem>>) src(%dma_wait3A_140 : memref<80xi32, #tpu.memory_space<hbm>>) dst(%arg13 : memref<80xi32, #tpu.memory_space<vmem>>)
      %dma_start3A_141 = arith.constant 0 : i32
      %dma_start3A_142 = arith.constant 0 : i32
      %dma_start3A_143 = tpu.memref_slice %arg2[%dma_start3A_141, %dma_start3A_142] : memref<10000x128xf32, #tpu.memory_space<hbm>> -> memref<10000x128xf32, #tpu.memory_space<hbm>>
      tpu.enqueue_indirect_dma source(%dma_start3A_143 : memref<10000x128xf32, #tpu.memory_space<hbm>>) target(%arg17 : memref<80x128xf32, #tpu.memory_space<vmem>>) offsets(%arg12 : memref<80xi32, #tpu.memory_space<vmem>>) semaphore(%arg26 : memref<!tpu.dma_semaphore, #tpu.memory_space<semaphore_mem>>)
      %dma_wait3A_144 = arith.constant 0 : i32
      %dma_wait3A_145 = arith.constant 0 : i32
      %dma_wait3A_146 = tpu.memref_slice %arg18[%dma_wait3A_144, %dma_wait3A_145] : memref<10000x128xf32, #tpu.memory_space<vmem_shared>> -> memref<10000x128xf32, #tpu.memory_space<vmem_shared>>
      tpu.wait_indirect_dma semaphore(%arg27 : memref<!tpu.dma_semaphore, #tpu.memory_space<semaphore_mem>>) src(%arg14 : memref<80x128xf32, #tpu.memory_space<vmem>>) dst(%dma_wait3A_146 : memref<10000x128xf32, #tpu.memory_space<vmem_shared>>)
      %dma_wait3A_147 = arith.constant 0 : i32
      %dma_wait3A_148 = arith.constant 0 : i32
      %dma_wait3A_149 = tpu.memref_slice %arg2[%dma_wait3A_147, %dma_wait3A_148] : memref<10000x128xf32, #tpu.memory_space<hbm>> -> memref<10000x128xf32, #tpu.memory_space<hbm>>
      tpu.wait_indirect_dma semaphore(%arg25 : memref<!tpu.dma_semaphore, #tpu.memory_space<semaphore_mem>>) src(%dma_wait3A_149 : memref<10000x128xf32, #tpu.memory_space<hbm>>) dst(%arg16 : memref<80x128xf32, #tpu.memory_space<vmem>>)
      %dma_start3A_150 = arith.constant 0 : i32
      %dma_start3A_151 = arith.constant 0 : i32
      %dma_start3A_152 = tpu.memref_slice %arg18[%dma_start3A_150, %dma_start3A_151] : memref<10000x128xf32, #tpu.memory_space<vmem_shared>> -> memref<10000x128xf32, #tpu.memory_space<vmem_shared>>
      tpu.enqueue_indirect_dma source(%arg16 : memref<80x128xf32, #tpu.memory_space<vmem>>) target(%dma_start3A_152 : memref<10000x128xf32, #tpu.memory_space<vmem_shared>>) offsets(%arg11 : memref<80xi32, #tpu.memory_space<vmem>>) semaphore(%arg29 : memref<!tpu.dma_semaphore, #tpu.memory_space<semaphore_mem>>) {add = true}
      %add3A_153 = arith.constant 2 : i32
      %add3A_154 = arith.addi %mul3A_84, %add3A_153 : i32
      %add3A_155 = arith.constant 2 : i32
      %add3A_156 = arith.addi %add3A_154, %add3A_155 : i32
      %mul3A_157 = arith.constant 80 : i32
      %mul3A_158 = arith.muli %add3A_156, %mul3A_157 : i32
      %add3A_159 = arith.addi %mul3A_8, %mul3A_158 : i32
      %dma_start3A_160 = tpu.memref_slice %arg3[%add3A_159] : memref<640000xi32, #tpu.memory_space<hbm>> -> memref<80xi32, #tpu.memory_space<hbm>>
      %dma_start3A_161 = tpu.memref_slice %arg3[%add3A_159] : memref<640000xi32, #tpu.memory_space<hbm>> -> memref<80xi32, #tpu.memory_space<hbm>>
      tpu.enqueue_dma source(%dma_start3A_161 : memref<80xi32, #tpu.memory_space<hbm>>) target(%arg6 : memref<80xi32, #tpu.memory_space<vmem>>) target_semaphore(%arg19 : memref<!tpu.dma_semaphore, #tpu.memory_space<semaphore_mem>>)
      %add3A_162 = arith.addi %mul3A_14, %mul3A_158 : i32
      %dma_start3A_163 = tpu.memref_slice %arg3[%add3A_162] : memref<640000xi32, #tpu.memory_space<hbm>> -> memref<80xi32, #tpu.memory_space<hbm>>
      %dma_start3A_164 = tpu.memref_slice %arg3[%add3A_162] : memref<640000xi32, #tpu.memory_space<hbm>> -> memref<80xi32, #tpu.memory_space<hbm>>
      tpu.enqueue_dma source(%dma_start3A_164 : memref<80xi32, #tpu.memory_space<hbm>>) target(%arg7 : memref<80xi32, #tpu.memory_space<vmem>>) target_semaphore(%arg19 : memref<!tpu.dma_semaphore, #tpu.memory_space<semaphore_mem>>)
      %dma_wait3A_165 = tpu.memref_slice %arg3[%mul3A_8] : memref<640000xi32, #tpu.memory_space<hbm>> -> memref<80xi32, #tpu.memory_space<hbm>>
      %dma_wait3A_166 = tpu.memref_slice %arg3[%mul3A_8] : memref<640000xi32, #tpu.memory_space<hbm>> -> memref<80xi32, #tpu.memory_space<hbm>>
      tpu.wait_dma2 semaphore(%arg19 : memref<!tpu.dma_semaphore, #tpu.memory_space<semaphore_mem>>) src(%dma_wait3A_166 : memref<80xi32, #tpu.memory_space<hbm>>) dst(%arg6 : memref<80xi32, #tpu.memory_space<vmem>>)
      %dma_wait3A_167 = tpu.memref_slice %arg3[%mul3A_14] : memref<640000xi32, #tpu.memory_space<hbm>> -> memref<80xi32, #tpu.memory_space<hbm>>
      %dma_wait3A_168 = tpu.memref_slice %arg3[%mul3A_14] : memref<640000xi32, #tpu.memory_space<hbm>> -> memref<80xi32, #tpu.memory_space<hbm>>
      tpu.wait_dma2 semaphore(%arg19 : memref<!tpu.dma_semaphore, #tpu.memory_space<semaphore_mem>>) src(%dma_wait3A_168 : memref<80xi32, #tpu.memory_space<hbm>>) dst(%arg7 : memref<80xi32, #tpu.memory_space<vmem>>)
      %dma_start3A_169 = arith.constant 0 : i32
      %dma_start3A_170 = arith.constant 0 : i32
      %dma_start3A_171 = tpu.memref_slice %arg2[%dma_start3A_169, %dma_start3A_170] : memref<10000x128xf32, #tpu.memory_space<hbm>> -> memref<10000x128xf32, #tpu.memory_space<hbm>>
      tpu.enqueue_indirect_dma source(%dma_start3A_171 : memref<10000x128xf32, #tpu.memory_space<hbm>>) target(%arg14 : memref<80x128xf32, #tpu.memory_space<vmem>>) offsets(%arg6 : memref<80xi32, #tpu.memory_space<vmem>>) semaphore(%arg23 : memref<!tpu.dma_semaphore, #tpu.memory_space<semaphore_mem>>)
      %dma_wait3A_172 = arith.constant 0 : i32
      %dma_wait3A_173 = arith.constant 0 : i32
      %dma_wait3A_174 = tpu.memref_slice %arg18[%dma_wait3A_172, %dma_wait3A_173] : memref<10000x128xf32, #tpu.memory_space<vmem_shared>> -> memref<10000x128xf32, #tpu.memory_space<vmem_shared>>
      tpu.wait_indirect_dma semaphore(%arg28 : memref<!tpu.dma_semaphore, #tpu.memory_space<semaphore_mem>>) src(%arg15 : memref<80x128xf32, #tpu.memory_space<vmem>>) dst(%dma_wait3A_174 : memref<10000x128xf32, #tpu.memory_space<vmem_shared>>)
      %dma_wait3A_175 = arith.constant 0 : i32
      %dma_wait3A_176 = arith.constant 0 : i32
      %dma_wait3A_177 = tpu.memref_slice %arg2[%dma_wait3A_175, %dma_wait3A_176] : memref<10000x128xf32, #tpu.memory_space<hbm>> -> memref<10000x128xf32, #tpu.memory_space<hbm>>
      tpu.wait_indirect_dma semaphore(%arg26 : memref<!tpu.dma_semaphore, #tpu.memory_space<semaphore_mem>>) src(%dma_wait3A_177 : memref<10000x128xf32, #tpu.memory_space<hbm>>) dst(%arg17 : memref<80x128xf32, #tpu.memory_space<vmem>>)
      %dma_start3A_178 = arith.constant 0 : i32
      %dma_start3A_179 = arith.constant 0 : i32
      %dma_start3A_180 = tpu.memref_slice %arg18[%dma_start3A_178, %dma_start3A_179] : memref<10000x128xf32, #tpu.memory_space<vmem_shared>> -> memref<10000x128xf32, #tpu.memory_space<vmem_shared>>
      tpu.enqueue_indirect_dma source(%arg17 : memref<80x128xf32, #tpu.memory_space<vmem>>) target(%dma_start3A_180 : memref<10000x128xf32, #tpu.memory_space<vmem_shared>>) offsets(%arg13 : memref<80xi32, #tpu.memory_space<vmem>>) semaphore(%arg30 : memref<!tpu.dma_semaphore, #tpu.memory_space<semaphore_mem>>) {add = true}
      %add3A_181 = arith.constant 3 : i32
      %add3A_182 = arith.addi %mul3A_84, %add3A_181 : i32
      %add3A_183 = arith.constant 2 : i32
      %add3A_184 = arith.addi %add3A_182, %add3A_183 : i32
      %mul3A_185 = arith.constant 80 : i32
      %mul3A_186 = arith.muli %add3A_184, %mul3A_185 : i32
      %add3A_187 = arith.addi %mul3A_8, %mul3A_186 : i32
      %dma_start3A_188 = tpu.memref_slice %arg3[%add3A_187] : memref<640000xi32, #tpu.memory_space<hbm>> -> memref<80xi32, #tpu.memory_space<hbm>>
      %dma_start3A_189 = tpu.memref_slice %arg3[%add3A_187] : memref<640000xi32, #tpu.memory_space<hbm>> -> memref<80xi32, #tpu.memory_space<hbm>>
      tpu.enqueue_dma source(%dma_start3A_189 : memref<80xi32, #tpu.memory_space<hbm>>) target(%arg8 : memref<80xi32, #tpu.memory_space<vmem>>) target_semaphore(%arg20 : memref<!tpu.dma_semaphore, #tpu.memory_space<semaphore_mem>>)
      %add3A_190 = arith.addi %mul3A_14, %mul3A_186 : i32
      %dma_start3A_191 = tpu.memref_slice %arg3[%add3A_190] : memref<640000xi32, #tpu.memory_space<hbm>> -> memref<80xi32, #tpu.memory_space<hbm>>
      %dma_start3A_192 = tpu.memref_slice %arg3[%add3A_190] : memref<640000xi32, #tpu.memory_space<hbm>> -> memref<80xi32, #tpu.memory_space<hbm>>
      tpu.enqueue_dma source(%dma_start3A_192 : memref<80xi32, #tpu.memory_space<hbm>>) target(%arg9 : memref<80xi32, #tpu.memory_space<vmem>>) target_semaphore(%arg20 : memref<!tpu.dma_semaphore, #tpu.memory_space<semaphore_mem>>)
      %dma_wait3A_193 = tpu.memref_slice %arg3[%mul3A_8] : memref<640000xi32, #tpu.memory_space<hbm>> -> memref<80xi32, #tpu.memory_space<hbm>>
      %dma_wait3A_194 = tpu.memref_slice %arg3[%mul3A_8] : memref<640000xi32, #tpu.memory_space<hbm>> -> memref<80xi32, #tpu.memory_space<hbm>>
      tpu.wait_dma2 semaphore(%arg20 : memref<!tpu.dma_semaphore, #tpu.memory_space<semaphore_mem>>) src(%dma_wait3A_194 : memref<80xi32, #tpu.memory_space<hbm>>) dst(%arg8 : memref<80xi32, #tpu.memory_space<vmem>>)
      %dma_wait3A_195 = tpu.memref_slice %arg3[%mul3A_14] : memref<640000xi32, #tpu.memory_space<hbm>> -> memref<80xi32, #tpu.memory_space<hbm>>
      %dma_wait3A_196 = tpu.memref_slice %arg3[%mul3A_14] : memref<640000xi32, #tpu.memory_space<hbm>> -> memref<80xi32, #tpu.memory_space<hbm>>
      tpu.wait_dma2 semaphore(%arg20 : memref<!tpu.dma_semaphore, #tpu.memory_space<semaphore_mem>>) src(%dma_wait3A_196 : memref<80xi32, #tpu.memory_space<hbm>>) dst(%arg9 : memref<80xi32, #tpu.memory_space<vmem>>)
      %dma_start3A_197 = arith.constant 0 : i32
      %dma_start3A_198 = arith.constant 0 : i32
      %dma_start3A_199 = tpu.memref_slice %arg2[%dma_start3A_197, %dma_start3A_198] : memref<10000x128xf32, #tpu.memory_space<hbm>> -> memref<10000x128xf32, #tpu.memory_space<hbm>>
      tpu.enqueue_indirect_dma source(%dma_start3A_199 : memref<10000x128xf32, #tpu.memory_space<hbm>>) target(%arg15 : memref<80x128xf32, #tpu.memory_space<vmem>>) offsets(%arg8 : memref<80xi32, #tpu.memory_space<vmem>>) semaphore(%arg24 : memref<!tpu.dma_semaphore, #tpu.memory_space<semaphore_mem>>)
    }
    %scan3A_47 = arith.constant 62 : i32
    %dma_wait3A_48 = arith.constant 0 : i32
    %dma_wait3A_49 = arith.constant 0 : i32
    %dma_wait3A_50 = tpu.memref_slice %arg18[%dma_wait3A_48, %dma_wait3A_49] : memref<10000x128xf32, #tpu.memory_space<vmem_shared>> -> memref<10000x128xf32, #tpu.memory_space<vmem_shared>>
    tpu.wait_indirect_dma semaphore(%arg29 : memref<!tpu.dma_semaphore, #tpu.memory_space<semaphore_mem>>) src(%arg16 : memref<80x128xf32, #tpu.memory_space<vmem>>) dst(%dma_wait3A_50 : memref<10000x128xf32, #tpu.memory_space<vmem_shared>>)
    %dma_wait3A_51 = arith.constant 0 : i32
    %dma_wait3A_52 = arith.constant 0 : i32
    %dma_wait3A_53 = tpu.memref_slice %arg2[%dma_wait3A_51, %dma_wait3A_52] : memref<10000x128xf32, #tpu.memory_space<hbm>> -> memref<10000x128xf32, #tpu.memory_space<hbm>>
    tpu.wait_indirect_dma semaphore(%arg23 : memref<!tpu.dma_semaphore, #tpu.memory_space<semaphore_mem>>) src(%dma_wait3A_53 : memref<10000x128xf32, #tpu.memory_space<hbm>>) dst(%arg14 : memref<80x128xf32, #tpu.memory_space<vmem>>)
    %dma_start3A_54 = arith.constant 0 : i32
    %dma_start3A_55 = arith.constant 0 : i32
    %dma_start3A_56 = tpu.memref_slice %arg18[%dma_start3A_54, %dma_start3A_55] : memref<10000x128xf32, #tpu.memory_space<vmem_shared>> -> memref<10000x128xf32, #tpu.memory_space<vmem_shared>>
    tpu.enqueue_indirect_dma source(%arg14 : memref<80x128xf32, #tpu.memory_space<vmem>>) target(%dma_start3A_56 : memref<10000x128xf32, #tpu.memory_space<vmem_shared>>) offsets(%arg7 : memref<80xi32, #tpu.memory_space<vmem>>) semaphore(%arg27 : memref<!tpu.dma_semaphore, #tpu.memory_space<semaphore_mem>>) {add = true}
    %dma_wait3A_57 = arith.constant 0 : i32
    %dma_wait3A_58 = arith.constant 0 : i32
    %dma_wait3A_59 = tpu.memref_slice %arg18[%dma_wait3A_57, %dma_wait3A_58] : memref<10000x128xf32, #tpu.memory_space<vmem_shared>> -> memref<10000x128xf32, #tpu.memory_space<vmem_shared>>
    tpu.wait_indirect_dma semaphore(%arg30 : memref<!tpu.dma_semaphore, #tpu.memory_space<semaphore_mem>>) src(%arg17 : memref<80x128xf32, #tpu.memory_space<vmem>>) dst(%dma_wait3A_59 : memref<10000x128xf32, #tpu.memory_space<vmem_shared>>)
    %dma_wait3A_60 = arith.constant 0 : i32
    %dma_wait3A_61 = arith.constant 0 : i32
    %dma_wait3A_62 = tpu.memref_slice %arg2[%dma_wait3A_60, %dma_wait3A_61] : memref<10000x128xf32, #tpu.memory_space<hbm>> -> memref<10000x128xf32, #tpu.memory_space<hbm>>
    tpu.wait_indirect_dma semaphore(%arg24 : memref<!tpu.dma_semaphore, #tpu.memory_space<semaphore_mem>>) src(%dma_wait3A_62 : memref<10000x128xf32, #tpu.memory_space<hbm>>) dst(%arg15 : memref<80x128xf32, #tpu.memory_space<vmem>>)
    %dma_start3A_63 = arith.constant 0 : i32
    %dma_start3A_64 = arith.constant 0 : i32
    %dma_start3A_65 = tpu.memref_slice %arg18[%dma_start3A_63, %dma_start3A_64] : memref<10000x128xf32, #tpu.memory_space<vmem_shared>> -> memref<10000x128xf32, #tpu.memory_space<vmem_shared>>
    tpu.enqueue_indirect_dma source(%arg15 : memref<80x128xf32, #tpu.memory_space<vmem>>) target(%dma_start3A_65 : memref<10000x128xf32, #tpu.memory_space<vmem_shared>>) offsets(%arg9 : memref<80xi32, #tpu.memory_space<vmem>>) semaphore(%arg28 : memref<!tpu.dma_semaphore, #tpu.memory_space<semaphore_mem>>) {add = true}
    %dma_wait3A_66 = arith.constant 0 : i32
    %dma_wait3A_67 = arith.constant 0 : i32
    %dma_wait3A_68 = tpu.memref_slice %arg18[%dma_wait3A_66, %dma_wait3A_67] : memref<10000x128xf32, #tpu.memory_space<vmem_shared>> -> memref<10000x128xf32, #tpu.memory_space<vmem_shared>>
    tpu.wait_indirect_dma semaphore(%arg27 : memref<!tpu.dma_semaphore, #tpu.memory_space<semaphore_mem>>) src(%arg14 : memref<80x128xf32, #tpu.memory_space<vmem>>) dst(%dma_wait3A_68 : memref<10000x128xf32, #tpu.memory_space<vmem_shared>>)
    %dma_wait3A_69 = arith.constant 0 : i32
    %dma_wait3A_70 = arith.constant 0 : i32
    %dma_wait3A_71 = tpu.memref_slice %arg18[%dma_wait3A_69, %dma_wait3A_70] : memref<10000x128xf32, #tpu.memory_space<vmem_shared>> -> memref<10000x128xf32, #tpu.memory_space<vmem_shared>>
    tpu.wait_indirect_dma semaphore(%arg28 : memref<!tpu.dma_semaphore, #tpu.memory_space<semaphore_mem>>) src(%arg15 : memref<80x128xf32, #tpu.memory_space<vmem>>) dst(%dma_wait3A_71 : memref<10000x128xf32, #tpu.memory_space<vmem_shared>>)
    %barrier3A_72 = arith.constant 0 : index
    tpu.barrier barrier_id(%barrier3A_72)
    %mul3A_73 = arith.constant 624 : i32
    %mul3A_74 = arith.muli %arg1, %mul3A_73 : i32
    %mul3A_75 = arith.constant 624 : i32
    %mul3A_76 = arith.muli %arg1, %mul3A_75 : i32
    "tpu.region"() ({
      %run_scoped3A = tpu.sem_alloc : memref<!tpu.dma_semaphore, #tpu.memory_space<semaphore_mem>>
      %dma_start3A_82 = arith.constant 0 : i32
      %dma_start3A_83 = tpu.memref_slice %arg5[%arg0, %mul3A_76, %dma_start3A_82] : memref<2x10000x128xf32, #tpu.memory_space<hbm>> -> memref<1x624x128xf32, #tpu.memory_space<hbm>>
      %dma_start3A_84 = tpu.memref_squeeze %dma_start3A_83 : memref<1x624x128xf32, #tpu.memory_space<hbm>> -> memref<624x128xf32, #tpu.memory_space<hbm>>
      %dma_start3A_85 = arith.constant 0 : i32
      %dma_start3A_86 = tpu.memref_slice %arg18[%mul3A_74, %dma_start3A_85] : memref<10000x128xf32, #tpu.memory_space<vmem_shared>> -> memref<624x128xf32, #tpu.memory_space<vmem_shared>>
      tpu.enqueue_dma source(%dma_start3A_86 : memref<624x128xf32, #tpu.memory_space<vmem_shared>>) target(%dma_start3A_84 : memref<624x128xf32, #tpu.memory_space<hbm>>) target_semaphore(%run_scoped3A : memref<!tpu.dma_semaphore, #tpu.memory_space<semaphore_mem>>)
      %dma_wait3A_87 = arith.constant 0 : i32
      %dma_wait3A_88 = tpu.memref_slice %arg5[%arg0, %mul3A_76, %dma_wait3A_87] : memref<2x10000x128xf32, #tpu.memory_space<hbm>> -> memref<1x624x128xf32, #tpu.memory_space<hbm>>
      %dma_wait3A_89 = tpu.memref_squeeze %dma_wait3A_88 : memref<1x624x128xf32, #tpu.memory_space<hbm>> -> memref<624x128xf32, #tpu.memory_space<hbm>>
      %dma_wait3A_90 = arith.constant 0 : i32
      %dma_wait3A_91 = tpu.memref_slice %arg18[%mul3A_74, %dma_wait3A_90] : memref<10000x128xf32, #tpu.memory_space<vmem_shared>> -> memref<624x128xf32, #tpu.memory_space<vmem_shared>>
      tpu.wait_dma2 semaphore(%run_scoped3A : memref<!tpu.dma_semaphore, #tpu.memory_space<semaphore_mem>>) src(%dma_wait3A_91 : memref<624x128xf32, #tpu.memory_space<vmem_shared>>) dst(%dma_wait3A_89 : memref<624x128xf32, #tpu.memory_space<hbm>>)
      tpu.yield
    }) : () -> ()
    %eq3A_77 = arith.constant 0 : i32
    %eq3A_78 = arith.cmpi eq, %arg1, %eq3A_77 : i32
    %convert_element_type3A_79 = arith.extui %eq3A_78 : i1 to i32
    %cond3A_80 = arith.constant 0 : i32
    %cond3A_81 = arith.cmpi ne, %convert_element_type3A_79, %cond3A_80 : i32
    scf.if %cond3A_81 {
      "tpu.region"() ({
        %run_scoped3A = tpu.sem_alloc : memref<!tpu.dma_semaphore, #tpu.memory_space<semaphore_mem>>
        %dma_start3A_82 = arith.constant 9984 : i32
        %dma_start3A_83 = arith.constant 0 : i32
        %dma_start3A_84 = tpu.memref_slice %arg5[%arg0, %dma_start3A_82, %dma_start3A_83] : memref<2x10000x128xf32, #tpu.memory_space<hbm>> -> memref<1x16x128xf32, #tpu.memory_space<hbm>>
        %dma_start3A_85 = tpu.memref_squeeze %dma_start3A_84 : memref<1x16x128xf32, #tpu.memory_space<hbm>> -> memref<16x128xf32, #tpu.memory_space<hbm>>
        %dma_start3A_86 = arith.constant 9984 : i32
        %dma_start3A_87 = arith.constant 0 : i32
        %dma_start3A_88 = tpu.memref_slice %arg18[%dma_start3A_86, %dma_start3A_87] : memref<10000x128xf32, #tpu.memory_space<vmem_shared>> -> memref<16x128xf32, #tpu.memory_space<vmem_shared>>
        tpu.enqueue_dma source(%dma_start3A_88 : memref<16x128xf32, #tpu.memory_space<vmem_shared>>) target(%dma_start3A_85 : memref<16x128xf32, #tpu.memory_space<hbm>>) target_semaphore(%run_scoped3A : memref<!tpu.dma_semaphore, #tpu.memory_space<semaphore_mem>>)
        %dma_wait3A_89 = arith.constant 9984 : i32
        %dma_wait3A_90 = arith.constant 0 : i32
        %dma_wait3A_91 = tpu.memref_slice %arg5[%arg0, %dma_wait3A_89, %dma_wait3A_90] : memref<2x10000x128xf32, #tpu.memory_space<hbm>> -> memref<1x16x128xf32, #tpu.memory_space<hbm>>
        %dma_wait3A_92 = tpu.memref_squeeze %dma_wait3A_91 : memref<1x16x128xf32, #tpu.memory_space<hbm>> -> memref<16x128xf32, #tpu.memory_space<hbm>>
        %dma_wait3A_93 = arith.constant 9984 : i32
        %dma_wait3A_94 = arith.constant 0 : i32
        %dma_wait3A_95 = tpu.memref_slice %arg18[%dma_wait3A_93, %dma_wait3A_94] : memref<10000x128xf32, #tpu.memory_space<vmem_shared>> -> memref<16x128xf32, #tpu.memory_space<vmem_shared>>
        tpu.wait_dma2 semaphore(%run_scoped3A : memref<!tpu.dma_semaphore, #tpu.memory_space<semaphore_mem>>) src(%dma_wait3A_95 : memref<16x128xf32, #tpu.memory_space<vmem_shared>>) dst(%dma_wait3A_92 : memref<16x128xf32, #tpu.memory_space<hbm>>)
        tpu.yield
      }) : () -> ()
    } else {
    }
    return
  }
}

module attributes {stable_mosaic.version = 14 : i64} {
  func.func @_dense_body(%arg0: i32, %arg1: memref<2000x128xf32, #tpu.memory_space<vmem>>, %arg2: memref<2000x128xf32, #tpu.memory_space<vmem>>, %arg3: memref<2000x128xf32, #tpu.memory_space<vmem>>, %arg4: memref<128x128xf32, #tpu.memory_space<vmem>>, %arg5: memref<1x128xf32, #tpu.memory_space<vmem>>, %arg6: memref<128x128xf32, #tpu.memory_space<vmem>>, %arg7: memref<1x128xf32, #tpu.memory_space<vmem>>, %arg8: memref<128x128xf32, #tpu.memory_space<vmem>>, %arg9: memref<1x128xf32, #tpu.memory_space<vmem>>, %arg10: memref<128x128xf32, #tpu.memory_space<vmem>>, %arg11: memref<1x128xf32, #tpu.memory_space<vmem>>, %arg12: memref<512x128xf32, #tpu.memory_space<vmem>>, %arg13: memref<1x128xf32, #tpu.memory_space<vmem>>, %arg14: memref<256x128xf32, #tpu.memory_space<vmem>>, %arg15: memref<1x128xf32, #tpu.memory_space<vmem>>, %arg16: memref<128x1xf32, #tpu.memory_space<vmem>>, %arg17: memref<1x1xf32, #tpu.memory_space<vmem>>, %arg18: memref<2000x1xf32, #tpu.memory_space<vmem>>) attributes {dimension_semantics = [#tpu.dimension_semantics<arbitrary>], iteration_bounds = array<i64: 5>, scalar_prefetch = 0 : i64, scratch_operands = 0 : i64, tpu.core_type = #tpu.core_type<tc>, window_params = [{transform_indices = @transform_0, window_bounds = array<i64: 2000, 128>}, {transform_indices = @transform_1, window_bounds = array<i64: 2000, 128>}, {transform_indices = @transform_2, window_bounds = array<i64: 2000, 128>}, {pipeline_mode = #tpu.pipeline_mode<synchronous>, transform_indices = @transform_3, window_bounds = array<i64: 128, 128>}, {pipeline_mode = #tpu.pipeline_mode<synchronous>, transform_indices = @transform_4, window_bounds = array<i64: 1, 128>}, {pipeline_mode = #tpu.pipeline_mode<synchronous>, transform_indices = @transform_5, window_bounds = array<i64: 128, 128>}, {pipeline_mode = #tpu.pipeline_mode<synchronous>, transform_indices = @transform_6, window_bounds = array<i64: 1, 128>}, {pipeline_mode = #tpu.pipeline_mode<synchronous>, transform_indices = @transform_7, window_bounds = array<i64: 128, 128>}, {pipeline_mode = #tpu.pipeline_mode<synchronous>, transform_indices = @transform_8, window_bounds = array<i64: 1, 128>}, {pipeline_mode = #tpu.pipeline_mode<synchronous>, transform_indices = @transform_9, window_bounds = array<i64: 128, 128>}, {pipeline_mode = #tpu.pipeline_mode<synchronous>, transform_indices = @transform_10, window_bounds = array<i64: 1, 128>}, {pipeline_mode = #tpu.pipeline_mode<synchronous>, transform_indices = @transform_11, window_bounds = array<i64: 512, 128>}, {pipeline_mode = #tpu.pipeline_mode<synchronous>, transform_indices = @transform_12, window_bounds = array<i64: 1, 128>}, {pipeline_mode = #tpu.pipeline_mode<synchronous>, transform_indices = @transform_13, window_bounds = array<i64: 256, 128>}, {pipeline_mode = #tpu.pipeline_mode<synchronous>, transform_indices = @transform_14, window_bounds = array<i64: 1, 128>}, {pipeline_mode = #tpu.pipeline_mode<synchronous>, transform_indices = @transform_15, window_bounds = array<i64: 128, 1>}, {pipeline_mode = #tpu.pipeline_mode<synchronous>, transform_indices = @transform_16, window_bounds = array<i64: 1, 1>}, {transform_indices = @transform_17, window_bounds = array<i64: 2000, 1>}]} {
    %get3A = arith.constant 0 : index
    %get3A_0 = arith.constant 0 : index
    %get3A_1 = vector.load %arg1[%get3A, %get3A_0] : memref<2000x128xf32, #tpu.memory_space<vmem>>, vector<2000x128xf32>
    %get3A_2 = arith.constant 0 : index
    %get3A_3 = arith.constant 0 : index
    %get3A_4 = vector.load %arg2[%get3A_2, %get3A_3] : memref<2000x128xf32, #tpu.memory_space<vmem>>, vector<2000x128xf32>
    %get3A_5 = arith.constant 0 : index
    %get3A_6 = arith.constant 0 : index
    %get3A_7 = vector.load %arg4[%get3A_5, %get3A_6] : memref<128x128xf32, #tpu.memory_space<vmem>>, vector<128x128xf32>
    %get3A_8 = arith.constant 0 : index
    %get3A_9 = arith.constant 0 : index
    %get3A_10 = vector.load %arg5[%get3A_8, %get3A_9] : memref<1x128xf32, #tpu.memory_space<vmem>>, vector<1x128xf32>
    %get3A_11 = arith.constant 0 : index
    %get3A_12 = arith.constant 0 : index
    %get3A_13 = vector.load %arg6[%get3A_11, %get3A_12] : memref<128x128xf32, #tpu.memory_space<vmem>>, vector<128x128xf32>
    %get3A_14 = arith.constant 0 : index
    %get3A_15 = arith.constant 0 : index
    %get3A_16 = vector.load %arg7[%get3A_14, %get3A_15] : memref<1x128xf32, #tpu.memory_space<vmem>>, vector<1x128xf32>
    %add3A = arith.addf %get3A_1, %get3A_4 : vector<2000x128xf32>
    %dot_general3A = arith.constant dense<0.000000e+00> : vector<2000x128xf32>
    %dot_general3A_17 = tpu.matmul %add3A, %get3A_7, %dot_general3A {dimension_numbers = #tpu.dot_dimension_numbers<[1], [0], [0], [1], [0, 0, 1, 1], [], []>, transpose_lhs_hint = false} : vector<2000x128xf32>, vector<128x128xf32>, vector<2000x128xf32> -> vector<2000x128xf32>
    %add3A_18 = vector.broadcast %get3A_10 : vector<1x128xf32> to vector<2000x128xf32>
    %add3A_19 = arith.addf %dot_general3A_17, %add3A_18 : vector<2000x128xf32>
    %max3A = arith.constant 0.000000e+00 : f32
    %max3A_20 = vector.broadcast %max3A : f32 to vector<2000x128xf32>
    %max3A_21 = arith.maximumf %add3A_19, %max3A_20 : vector<2000x128xf32>
    %dot_general3A_22 = arith.constant dense<0.000000e+00> : vector<2000x128xf32>
    %dot_general3A_23 = tpu.matmul %max3A_21, %get3A_13, %dot_general3A_22 {dimension_numbers = #tpu.dot_dimension_numbers<[1], [0], [0], [1], [0, 0, 1, 1], [], []>, transpose_lhs_hint = false} : vector<2000x128xf32>, vector<128x128xf32>, vector<2000x128xf32> -> vector<2000x128xf32>
    %add3A_24 = vector.broadcast %get3A_16 : vector<1x128xf32> to vector<2000x128xf32>
    %add3A_25 = arith.addf %dot_general3A_23, %add3A_24 : vector<2000x128xf32>
    %get3A_26 = arith.constant 0 : index
    %get3A_27 = arith.constant 0 : index
    %get3A_28 = vector.load %arg3[%get3A_26, %get3A_27] : memref<2000x128xf32, #tpu.memory_space<vmem>>, vector<2000x128xf32>
    %get3A_29 = arith.constant 0 : index
    %get3A_30 = arith.constant 0 : index
    %get3A_31 = vector.load %arg8[%get3A_29, %get3A_30] : memref<128x128xf32, #tpu.memory_space<vmem>>, vector<128x128xf32>
    %get3A_32 = arith.constant 0 : index
    %get3A_33 = arith.constant 0 : index
    %get3A_34 = vector.load %arg9[%get3A_32, %get3A_33] : memref<1x128xf32, #tpu.memory_space<vmem>>, vector<1x128xf32>
    %get3A_35 = arith.constant 0 : index
    %get3A_36 = arith.constant 0 : index
    %get3A_37 = vector.load %arg10[%get3A_35, %get3A_36] : memref<128x128xf32, #tpu.memory_space<vmem>>, vector<128x128xf32>
    %get3A_38 = arith.constant 0 : index
    %get3A_39 = arith.constant 0 : index
    %get3A_40 = vector.load %arg11[%get3A_38, %get3A_39] : memref<1x128xf32, #tpu.memory_space<vmem>>, vector<1x128xf32>
    %add3A_41 = arith.addf %get3A_1, %get3A_28 : vector<2000x128xf32>
    %dot_general3A_42 = arith.constant dense<0.000000e+00> : vector<2000x128xf32>
    %dot_general3A_43 = tpu.matmul %add3A_41, %get3A_31, %dot_general3A_42 {dimension_numbers = #tpu.dot_dimension_numbers<[1], [0], [0], [1], [0, 0, 1, 1], [], []>, transpose_lhs_hint = false} : vector<2000x128xf32>, vector<128x128xf32>, vector<2000x128xf32> -> vector<2000x128xf32>
    %add3A_44 = vector.broadcast %get3A_34 : vector<1x128xf32> to vector<2000x128xf32>
    %add3A_45 = arith.addf %dot_general3A_43, %add3A_44 : vector<2000x128xf32>
    %max3A_46 = arith.constant 0.000000e+00 : f32
    %max3A_47 = vector.broadcast %max3A_46 : f32 to vector<2000x128xf32>
    %max3A_48 = arith.maximumf %add3A_45, %max3A_47 : vector<2000x128xf32>
    %dot_general3A_49 = arith.constant dense<0.000000e+00> : vector<2000x128xf32>
    %dot_general3A_50 = tpu.matmul %max3A_48, %get3A_37, %dot_general3A_49 {dimension_numbers = #tpu.dot_dimension_numbers<[1], [0], [0], [1], [0, 0, 1, 1], [], []>, transpose_lhs_hint = false} : vector<2000x128xf32>, vector<128x128xf32>, vector<2000x128xf32> -> vector<2000x128xf32>
    %add3A_51 = vector.broadcast %get3A_40 : vector<1x128xf32> to vector<2000x128xf32>
    %add3A_52 = arith.addf %dot_general3A_50, %add3A_51 : vector<2000x128xf32>
    %iota3A = tpu.iota {dimensions = array<i32: 0>} : vector<20x2000xi32>
    %iota3A_53 = tpu.iota {dimensions = array<i32: 1>} : vector<20x2000xi32>
    %jit3A = arith.constant 100 : i32
    %div3A = vector.broadcast %jit3A : i32 to vector<20x2000xi32>
    %div3A_54 = arith.divsi %iota3A_53, %div3A : vector<20x2000xi32>
    %sign3A = arith.constant 0 : i32
    %sign3A_55 = vector.broadcast %sign3A : i32 to vector<20x2000xi32>
    %sign3A_56 = arith.cmpi sgt, %iota3A_53, %sign3A_55 : vector<20x2000xi32>
    %sign3A_57 = arith.extui %sign3A_56 : vector<20x2000xi1> to vector<20x2000xi32>
    %sign3A_58 = arith.constant 0 : i32
    %sign3A_59 = vector.broadcast %sign3A_58 : i32 to vector<20x2000xi32>
    %sign3A_60 = arith.cmpi slt, %iota3A_53, %sign3A_59 : vector<20x2000xi32>
    %sign3A_61 = arith.extui %sign3A_60 : vector<20x2000xi1> to vector<20x2000xi32>
    %sign3A_62 = arith.subi %sign3A_57, %sign3A_61 : vector<20x2000xi32>
    %sign3A_63 = arith.constant 0 : i32
    %sign3A_64 = arith.cmpi sgt, %jit3A, %sign3A_63 : i32
    %sign3A_65 = arith.extui %sign3A_64 : i1 to i32
    %sign3A_66 = arith.constant 0 : i32
    %sign3A_67 = arith.cmpi slt, %jit3A, %sign3A_66 : i32
    %sign3A_68 = arith.extui %sign3A_67 : i1 to i32
    %sign3A_69 = arith.subi %sign3A_65, %sign3A_68 : i32
    %ne3A = vector.broadcast %sign3A_69 : i32 to vector<20x2000xi32>
    %ne3A_70 = arith.cmpi ne, %sign3A_62, %ne3A : vector<20x2000xi32>
    %rem3A = vector.broadcast %jit3A : i32 to vector<20x2000xi32>
    %rem3A_71 = arith.remsi %iota3A_53, %rem3A : vector<20x2000xi32>
    %ne3A_72 = arith.constant 0 : i32
    %ne3A_73 = vector.broadcast %ne3A_72 : i32 to vector<20x2000xi32>
    %ne3A_74 = arith.cmpi ne, %rem3A_71, %ne3A_73 : vector<20x2000xi32>
    %and3A = arith.andi %ne3A_70, %ne3A_74 : vector<20x2000xi1>
    %sub3A = arith.constant 1 : i32
    %sub3A_75 = vector.broadcast %sub3A : i32 to vector<20x2000xi32>
    %sub3A_76 = arith.subi %div3A_54, %sub3A_75 : vector<20x2000xi32>
    %select_n3A = arith.select %and3A, %sub3A_76, %div3A_54 : vector<20x2000xi1>, vector<20x2000xi32>
    %eq3A = arith.cmpi eq, %iota3A, %select_n3A : vector<20x2000xi32>
    %convert_element_type3A = arith.extui %eq3A : vector<20x2000xi1> to vector<20x2000xi32>
    %convert_element_type3A_77 = arith.sitofp %convert_element_type3A : vector<20x2000xi32> to vector<20x2000xf32>
    %iota3A_78 = tpu.iota {dimensions = array<i32: 0>} : vector<2000x20xi32>
    %jit3A_79 = arith.constant 100 : i32
    %div3A_80 = vector.broadcast %jit3A_79 : i32 to vector<2000x20xi32>
    %div3A_81 = arith.divsi %iota3A_78, %div3A_80 : vector<2000x20xi32>
    %sign3A_82 = arith.constant 0 : i32
    %sign3A_83 = vector.broadcast %sign3A_82 : i32 to vector<2000x20xi32>
    %sign3A_84 = arith.cmpi sgt, %iota3A_78, %sign3A_83 : vector<2000x20xi32>
    %sign3A_85 = arith.extui %sign3A_84 : vector<2000x20xi1> to vector<2000x20xi32>
    %sign3A_86 = arith.constant 0 : i32
    %sign3A_87 = vector.broadcast %sign3A_86 : i32 to vector<2000x20xi32>
    %sign3A_88 = arith.cmpi slt, %iota3A_78, %sign3A_87 : vector<2000x20xi32>
    %sign3A_89 = arith.extui %sign3A_88 : vector<2000x20xi1> to vector<2000x20xi32>
    %sign3A_90 = arith.subi %sign3A_85, %sign3A_89 : vector<2000x20xi32>
    %sign3A_91 = arith.constant 0 : i32
    %sign3A_92 = arith.cmpi sgt, %jit3A_79, %sign3A_91 : i32
    %sign3A_93 = arith.extui %sign3A_92 : i1 to i32
    %sign3A_94 = arith.constant 0 : i32
    %sign3A_95 = arith.cmpi slt, %jit3A_79, %sign3A_94 : i32
    %sign3A_96 = arith.extui %sign3A_95 : i1 to i32
    %sign3A_97 = arith.subi %sign3A_93, %sign3A_96 : i32
    %ne3A_98 = vector.broadcast %sign3A_97 : i32 to vector<2000x20xi32>
    %ne3A_99 = arith.cmpi ne, %sign3A_90, %ne3A_98 : vector<2000x20xi32>
    %rem3A_100 = vector.broadcast %jit3A_79 : i32 to vector<2000x20xi32>
    %rem3A_101 = arith.remsi %iota3A_78, %rem3A_100 : vector<2000x20xi32>
    %ne3A_102 = arith.constant 0 : i32
    %ne3A_103 = vector.broadcast %ne3A_102 : i32 to vector<2000x20xi32>
    %ne3A_104 = arith.cmpi ne, %rem3A_101, %ne3A_103 : vector<2000x20xi32>
    %and3A_105 = arith.andi %ne3A_99, %ne3A_104 : vector<2000x20xi1>
    %sub3A_106 = arith.constant 1 : i32
    %sub3A_107 = vector.broadcast %sub3A_106 : i32 to vector<2000x20xi32>
    %sub3A_108 = arith.subi %div3A_81, %sub3A_107 : vector<2000x20xi32>
    %select_n3A_109 = arith.select %and3A_105, %sub3A_108, %div3A_81 : vector<2000x20xi1>, vector<2000x20xi32>
    %iota3A_110 = tpu.iota {dimensions = array<i32: 1>} : vector<2000x20xi32>
    %eq3A_111 = arith.cmpi eq, %select_n3A_109, %iota3A_110 : vector<2000x20xi32>
    %convert_element_type3A_112 = arith.extui %eq3A_111 : vector<2000x20xi1> to vector<2000x20xi32>
    %convert_element_type3A_113 = arith.sitofp %convert_element_type3A_112 : vector<2000x20xi32> to vector<2000x20xf32>
    %dot_general3A_114 = arith.constant dense<0.000000e+00> : vector<20x128xf32>
    %dot_general3A_115 = tpu.matmul %convert_element_type3A_77, %add3A_25, %dot_general3A_114 {dimension_numbers = #tpu.dot_dimension_numbers<[1], [0], [0], [1], [0, 0, 1, 1], [], []>, transpose_lhs_hint = false} : vector<20x2000xf32>, vector<2000x128xf32>, vector<20x128xf32> -> vector<20x128xf32>
    %div3A_116 = arith.constant 1.000000e+02 : f32
    %div3A_117 = vector.broadcast %div3A_116 : f32 to vector<20x128xf32>
    %div3A_118 = arith.divf %dot_general3A_115, %div3A_117 : vector<20x128xf32>
    %dot_general3A_119 = arith.constant dense<0.000000e+00> : vector<20x128xf32>
    %dot_general3A_120 = tpu.matmul %convert_element_type3A_77, %add3A_52, %dot_general3A_119 {dimension_numbers = #tpu.dot_dimension_numbers<[1], [0], [0], [1], [0, 0, 1, 1], [], []>, transpose_lhs_hint = false} : vector<20x2000xf32>, vector<2000x128xf32>, vector<20x128xf32> -> vector<20x128xf32>
    %div3A_121 = arith.constant 1.000000e+02 : f32
    %div3A_122 = vector.broadcast %div3A_121 : f32 to vector<20x128xf32>
    %div3A_123 = arith.divf %dot_general3A_120, %div3A_122 : vector<20x128xf32>
    %get3A_124 = arith.constant 0 : index
    %get3A_125 = arith.constant 0 : index
    %get3A_126 = vector.load %arg12[%get3A_124, %get3A_125] : memref<512x128xf32, #tpu.memory_space<vmem>>, vector<512x128xf32>
    %slice3A = vector.extract_strided_slice %get3A_126 {offsets = [128, 0], sizes = [128, 128], strides = [1, 1]} : vector<512x128xf32> to vector<128x128xf32>
    %dot_general3A_127 = arith.constant dense<0.000000e+00> : vector<20x128xf32>
    %dot_general3A_128 = tpu.matmul %div3A_118, %slice3A, %dot_general3A_127 {dimension_numbers = #tpu.dot_dimension_numbers<[1], [0], [0], [1], [0, 0, 1, 1], [], []>, transpose_lhs_hint = false} : vector<20x128xf32>, vector<128x128xf32>, vector<20x128xf32> -> vector<20x128xf32>
    %slice3A_129 = vector.extract_strided_slice %get3A_126 {offsets = [384, 0], sizes = [128, 128], strides = [1, 1]} : vector<512x128xf32> to vector<128x128xf32>
    %dot_general3A_130 = arith.constant dense<0.000000e+00> : vector<20x128xf32>
    %dot_general3A_131 = tpu.matmul %div3A_123, %slice3A_129, %dot_general3A_130 {dimension_numbers = #tpu.dot_dimension_numbers<[1], [0], [0], [1], [0, 0, 1, 1], [], []>, transpose_lhs_hint = false} : vector<20x128xf32>, vector<128x128xf32>, vector<20x128xf32> -> vector<20x128xf32>
    %add3A_132 = arith.addf %dot_general3A_128, %dot_general3A_131 : vector<20x128xf32>
    %slice3A_133 = vector.extract_strided_slice %get3A_126 {offsets = [0, 0], sizes = [128, 128], strides = [1, 1]} : vector<512x128xf32> to vector<128x128xf32>
    %dot_general3A_134 = arith.constant dense<0.000000e+00> : vector<2000x128xf32>
    %dot_general3A_135 = tpu.matmul %add3A_25, %slice3A_133, %dot_general3A_134 {dimension_numbers = #tpu.dot_dimension_numbers<[1], [0], [0], [1], [0, 0, 1, 1], [], []>, transpose_lhs_hint = false} : vector<2000x128xf32>, vector<128x128xf32>, vector<2000x128xf32> -> vector<2000x128xf32>
    %slice3A_136 = vector.extract_strided_slice %get3A_126 {offsets = [256, 0], sizes = [128, 128], strides = [1, 1]} : vector<512x128xf32> to vector<128x128xf32>
    %dot_general3A_137 = arith.constant dense<0.000000e+00> : vector<2000x128xf32>
    %dot_general3A_138 = tpu.matmul %add3A_52, %slice3A_136, %dot_general3A_137 {dimension_numbers = #tpu.dot_dimension_numbers<[1], [0], [0], [1], [0, 0, 1, 1], [], []>, transpose_lhs_hint = false} : vector<2000x128xf32>, vector<128x128xf32>, vector<2000x128xf32> -> vector<2000x128xf32>
    %add3A_139 = arith.addf %dot_general3A_135, %dot_general3A_138 : vector<2000x128xf32>
    %dot_general3A_140 = arith.constant dense<0.000000e+00> : vector<2000x128xf32>
    %dot_general3A_141 = tpu.matmul %convert_element_type3A_113, %add3A_132, %dot_general3A_140 {dimension_numbers = #tpu.dot_dimension_numbers<[1], [0], [0], [1], [0, 0, 1, 1], [], []>, transpose_lhs_hint = false} : vector<2000x20xf32>, vector<20x128xf32>, vector<2000x128xf32> -> vector<2000x128xf32>
    %add3A_142 = arith.addf %add3A_139, %dot_general3A_141 : vector<2000x128xf32>
    %get3A_143 = arith.constant 0 : index
    %get3A_144 = arith.constant 0 : index
    %get3A_145 = vector.load %arg13[%get3A_143, %get3A_144] : memref<1x128xf32, #tpu.memory_space<vmem>>, vector<1x128xf32>
    %add3A_146 = vector.broadcast %get3A_145 : vector<1x128xf32> to vector<2000x128xf32>
    %add3A_147 = arith.addf %add3A_142, %add3A_146 : vector<2000x128xf32>
    %max3A_148 = arith.constant 0.000000e+00 : f32
    %max3A_149 = vector.broadcast %max3A_148 : f32 to vector<2000x128xf32>
    %max3A_150 = arith.maximumf %add3A_147, %max3A_149 : vector<2000x128xf32>
    %get3A_151 = arith.constant 0 : index
    %get3A_152 = arith.constant 0 : index
    %get3A_153 = vector.load %arg14[%get3A_151, %get3A_152] : memref<256x128xf32, #tpu.memory_space<vmem>>, vector<256x128xf32>
    %slice3A_154 = vector.extract_strided_slice %get3A_153 {offsets = [0, 0], sizes = [128, 128], strides = [1, 1]} : vector<256x128xf32> to vector<128x128xf32>
    %dot_general3A_155 = arith.constant dense<0.000000e+00> : vector<2000x128xf32>
    %dot_general3A_156 = tpu.matmul %max3A_150, %slice3A_154, %dot_general3A_155 {dimension_numbers = #tpu.dot_dimension_numbers<[1], [0], [0], [1], [0, 0, 1, 1], [], []>, transpose_lhs_hint = false} : vector<2000x128xf32>, vector<128x128xf32>, vector<2000x128xf32> -> vector<2000x128xf32>
    %slice3A_157 = vector.extract_strided_slice %get3A_153 {offsets = [128, 0], sizes = [128, 128], strides = [1, 1]} : vector<256x128xf32> to vector<128x128xf32>
    %dot_general3A_158 = arith.constant dense<0.000000e+00> : vector<2000x128xf32>
    %dot_general3A_159 = tpu.matmul %get3A_1, %slice3A_157, %dot_general3A_158 {dimension_numbers = #tpu.dot_dimension_numbers<[1], [0], [0], [1], [0, 0, 1, 1], [], []>, transpose_lhs_hint = false} : vector<2000x128xf32>, vector<128x128xf32>, vector<2000x128xf32> -> vector<2000x128xf32>
    %add3A_160 = arith.addf %dot_general3A_156, %dot_general3A_159 : vector<2000x128xf32>
    %get3A_161 = arith.constant 0 : index
    %get3A_162 = arith.constant 0 : index
    %get3A_163 = vector.load %arg15[%get3A_161, %get3A_162] : memref<1x128xf32, #tpu.memory_space<vmem>>, vector<1x128xf32>
    %add3A_164 = vector.broadcast %get3A_163 : vector<1x128xf32> to vector<2000x128xf32>
    %add3A_165 = arith.addf %add3A_160, %add3A_164 : vector<2000x128xf32>
    %max3A_166 = arith.constant 0.000000e+00 : f32
    %max3A_167 = vector.broadcast %max3A_166 : f32 to vector<2000x128xf32>
    %max3A_168 = arith.maximumf %add3A_165, %max3A_167 : vector<2000x128xf32>
    %get3A_169 = arith.constant 0 : index
    %get3A_170 = arith.constant 0 : index
    %get3A_171 = vector.load %arg16[%get3A_169, %get3A_170] : memref<128x1xf32, #tpu.memory_space<vmem>>, vector<128x1xf32>
    %dot_general3A_172 = arith.constant dense<0.000000e+00> : vector<2000x1xf32>
    %dot_general3A_173 = tpu.matmul %max3A_168, %get3A_171, %dot_general3A_172 {dimension_numbers = #tpu.dot_dimension_numbers<[1], [0], [0], [1], [0, 0, 1, 1], [], []>, transpose_lhs_hint = false} : vector<2000x128xf32>, vector<128x1xf32>, vector<2000x1xf32> -> vector<2000x1xf32>
    %get3A_174 = arith.constant 0 : index
    %get3A_175 = arith.constant 0 : index
    %get3A_176 = vector.load %arg17[%get3A_174, %get3A_175] : memref<1x1xf32, #tpu.memory_space<vmem>>, vector<1x1xf32>
    %add3A_177 = vector.broadcast %get3A_176 : vector<1x1xf32> to vector<2000x1xf32>
    %add3A_178 = arith.addf %dot_general3A_173, %add3A_177 : vector<2000x1xf32>
    %swap3A = arith.constant 0 : index
    %swap3A_179 = arith.constant 0 : index
    %swap3A_180 = vector.load %arg18[%swap3A, %swap3A_179] : memref<2000x1xf32, #tpu.memory_space<vmem>>, vector<2000x1xf32>
    tpu.vector_store %arg18[%swap3A, %swap3A_179], %add3A_178 {strides = array<i32>} : memref<2000x1xf32, #tpu.memory_space<vmem>>, vector<2000x1xf32>,
    return
  }
  func.func @transform_0(%arg0: i32) -> (i32, i32) {
    %c0_i32 = arith.constant 0 : i32
    %c0_i32_0 = arith.constant 0 : i32
    return %arg0, %c0_i32 : i32, i32
  }
  func.func @transform_1(%arg0: i32) -> (i32, i32) {
    %c0_i32 = arith.constant 0 : i32
    %c0_i32_0 = arith.constant 0 : i32
    return %arg0, %c0_i32 : i32, i32
  }
  func.func @transform_2(%arg0: i32) -> (i32, i32) {
    %c0_i32 = arith.constant 0 : i32
    %c0_i32_0 = arith.constant 0 : i32
    return %arg0, %c0_i32 : i32, i32
  }
  func.func @transform_3(%arg0: i32) -> (i32, i32) {
    %c0_i32 = arith.constant 0 : i32
    %c0_i32_0 = arith.constant 0 : i32
    %c0_i32_1 = arith.constant 0 : i32
    return %c0_i32, %c0_i32_0 : i32, i32
  }
  func.func @transform_4(%arg0: i32) -> (i32, i32) {
    %c0_i32 = arith.constant 0 : i32
    %c0_i32_0 = arith.constant 0 : i32
    %c0_i32_1 = arith.constant 0 : i32
    return %c0_i32, %c0_i32_0 : i32, i32
  }
  func.func @transform_5(%arg0: i32) -> (i32, i32) {
    %c0_i32 = arith.constant 0 : i32
    %c0_i32_0 = arith.constant 0 : i32
    %c0_i32_1 = arith.constant 0 : i32
    return %c0_i32, %c0_i32_0 : i32, i32
  }
  func.func @transform_6(%arg0: i32) -> (i32, i32) {
    %c0_i32 = arith.constant 0 : i32
    %c0_i32_0 = arith.constant 0 : i32
    %c0_i32_1 = arith.constant 0 : i32
    return %c0_i32, %c0_i32_0 : i32, i32
  }
  func.func @transform_7(%arg0: i32) -> (i32, i32) {
    %c0_i32 = arith.constant 0 : i32
    %c0_i32_0 = arith.constant 0 : i32
    %c0_i32_1 = arith.constant 0 : i32
    return %c0_i32, %c0_i32_0 : i32, i32
  }
  func.func @transform_8(%arg0: i32) -> (i32, i32) {
    %c0_i32 = arith.constant 0 : i32
    %c0_i32_0 = arith.constant 0 : i32
    %c0_i32_1 = arith.constant 0 : i32
    return %c0_i32, %c0_i32_0 : i32, i32
  }
  func.func @transform_9(%arg0: i32) -> (i32, i32) {
    %c0_i32 = arith.constant 0 : i32
    %c0_i32_0 = arith.constant 0 : i32
    %c0_i32_1 = arith.constant 0 : i32
    return %c0_i32, %c0_i32_0 : i32, i32
  }
  func.func @transform_10(%arg0: i32) -> (i32, i32) {
    %c0_i32 = arith.constant 0 : i32
    %c0_i32_0 = arith.constant 0 : i32
    %c0_i32_1 = arith.constant 0 : i32
    return %c0_i32, %c0_i32_0 : i32, i32
  }
  func.func @transform_11(%arg0: i32) -> (i32, i32) {
    %c0_i32 = arith.constant 0 : i32
    %c0_i32_0 = arith.constant 0 : i32
    %c0_i32_1 = arith.constant 0 : i32
    return %c0_i32, %c0_i32_0 : i32, i32
  }
  func.func @transform_12(%arg0: i32) -> (i32, i32) {
    %c0_i32 = arith.constant 0 : i32
    %c0_i32_0 = arith.constant 0 : i32
    %c0_i32_1 = arith.constant 0 : i32
    return %c0_i32, %c0_i32_0 : i32, i32
  }
  func.func @transform_13(%arg0: i32) -> (i32, i32) {
    %c0_i32 = arith.constant 0 : i32
    %c0_i32_0 = arith.constant 0 : i32
    %c0_i32_1 = arith.constant 0 : i32
    return %c0_i32, %c0_i32_0 : i32, i32
  }
  func.func @transform_14(%arg0: i32) -> (i32, i32) {
    %c0_i32 = arith.constant 0 : i32
    %c0_i32_0 = arith.constant 0 : i32
    %c0_i32_1 = arith.constant 0 : i32
    return %c0_i32, %c0_i32_0 : i32, i32
  }
  func.func @transform_15(%arg0: i32) -> (i32, i32) {
    %c0_i32 = arith.constant 0 : i32
    %c0_i32_0 = arith.constant 0 : i32
    %c0_i32_1 = arith.constant 0 : i32
    return %c0_i32, %c0_i32_0 : i32, i32
  }
  func.func @transform_16(%arg0: i32) -> (i32, i32) {
    %c0_i32 = arith.constant 0 : i32
    %c0_i32_0 = arith.constant 0 : i32
    %c0_i32_1 = arith.constant 0 : i32
    return %c0_i32, %c0_i32_0 : i32, i32
  }
  func.func @transform_17(%arg0: i32) -> (i32, i32) {
    %c0_i32 = arith.constant 0 : i32
    %c0_i32_0 = arith.constant 0 : i32
    return %arg0, %c0_i32 : i32, i32
  }
}

module attributes {stable_mosaic.version = 14 : i64} {
  func.func @_sample_body(%arg0: memref<100x100xf32, #tpu.memory_space<vmem>>, %arg1: memref<100x100xf32, #tpu.memory_space<vmem>>, %arg2: memref<100x100xf32, #tpu.memory_space<vmem>>, %arg3: memref<100x1xi32, #tpu.memory_space<vmem>>, %arg4: memref<100x1xi32, #tpu.memory_space<vmem>>, %arg5: memref<100x1xf32, #tpu.memory_space<vmem>>) attributes {dimension_semantics = [], scalar_prefetch = 0 : i64, scratch_operands = 0 : i64, tpu.core_type = #tpu.core_type<tc>} {
    %get3A = arith.constant 0 : index
    %get3A_0 = arith.constant 0 : index
    %get3A_1 = vector.load %arg0[%get3A, %get3A_0] : memref<100x100xf32, #tpu.memory_space<vmem>>, vector<100x100xf32>
    %get3A_2 = arith.constant 0 : index
    %get3A_3 = arith.constant 0 : index
    %get3A_4 = vector.load %arg1[%get3A_2, %get3A_3] : memref<100x100xf32, #tpu.memory_space<vmem>>, vector<100x100xf32>
    %sub3A = arith.subf %get3A_1, %get3A_4 : vector<100x100xf32>
    %reduce_max3A = arith.constant dense<0xFF800000> : vector<100xf32>
    %reduce_max3A_5 = vector.multi_reduction <maximumf>, %sub3A, %reduce_max3A [1] : vector<100x100xf32> to vector<100xf32>
    %broadcast_in_dim3A = vector.shape_cast %reduce_max3A_5 : vector<100xf32> to vector<100x1xf32>
    %sub3A_6 = vector.broadcast %broadcast_in_dim3A : vector<100x1xf32> to vector<100x100xf32>
    %sub3A_7 = arith.subf %sub3A, %sub3A_6 : vector<100x100xf32>
    %exp3A = math.exp %sub3A_7 : vector<100x100xf32>
    %reduce_sum3A = arith.constant dense<0.000000e+00> : vector<100xf32>
    %reduce_sum3A_8 = vector.multi_reduction <add>, %exp3A, %reduce_sum3A [1] : vector<100x100xf32> to vector<100xf32>
    %broadcast_in_dim3A_9 = vector.shape_cast %reduce_sum3A_8 : vector<100xf32> to vector<100x1xf32>
    %div3A = vector.broadcast %broadcast_in_dim3A_9 : vector<100x1xf32> to vector<100x100xf32>
    %div3A_10 = arith.divf %exp3A, %div3A : vector<100x100xf32>
    %add3A = arith.constant 9.99999968E-21 : f32
    %add3A_11 = vector.broadcast %add3A : f32 to vector<100x100xf32>
    %add3A_12 = arith.addf %div3A_10, %add3A_11 : vector<100x100xf32>
    %log3A = math.log %add3A_12 : vector<100x100xf32>
    %get3A_13 = arith.constant 0 : index
    %get3A_14 = arith.constant 0 : index
    %get3A_15 = vector.load %arg2[%get3A_13, %get3A_14] : memref<100x100xf32, #tpu.memory_space<vmem>>, vector<100x100xf32>
    %add3A_16 = arith.addf %log3A, %get3A_15 : vector<100x100xf32>
    %reduce_max3A_17 = arith.constant dense<0xFF800000> : vector<100xf32>
    %reduce_max3A_18 = vector.multi_reduction <maximumf>, %add3A_16, %reduce_max3A_17 [1] : vector<100x100xf32> to vector<100xf32>
    %broadcast_in_dim3A_19 = vector.shape_cast %reduce_max3A_18 : vector<100xf32> to vector<100x1xf32>
    %iota3A = tpu.iota {dimensions = array<i32: 1>} : vector<100x100xi32>
    %eq3A = vector.broadcast %broadcast_in_dim3A_19 : vector<100x1xf32> to vector<100x100xf32>
    %eq3A_20 = arith.cmpf oeq, %add3A_16, %eq3A : vector<100x100xf32>
    %jit3A = arith.constant 1073741824 : i32
    %broadcast_in_dim3A_21 = vector.broadcast %jit3A : i32 to vector<100x100xi32>
    %select_n3A = arith.select %eq3A_20, %iota3A, %broadcast_in_dim3A_21 : vector<100x100xi1>, vector<100x100xi32>
    %reduce_min3A = arith.constant dense<2147483647> : vector<100xi32>
    %reduce_min3A_22 = vector.multi_reduction <minsi>, %select_n3A, %reduce_min3A [1] : vector<100x100xi32> to vector<100xi32>
    %broadcast_in_dim3A_23 = vector.shape_cast %reduce_min3A_22 : vector<100xi32> to vector<100x1xi32>
    %eq3A_24 = vector.broadcast %broadcast_in_dim3A_23 : vector<100x1xi32> to vector<100x100xi32>
    %eq3A_25 = arith.cmpi eq, %iota3A, %eq3A_24 : vector<100x100xi32>
    %jit3A_26 = arith.constant 0.000000e+00 : f32
    %broadcast_in_dim3A_27 = vector.broadcast %jit3A_26 : f32 to vector<100x100xf32>
    %select_n3A_28 = arith.select %eq3A_25, %div3A_10, %broadcast_in_dim3A_27 : vector<100x100xi1>, vector<100x100xf32>
    %reduce_sum3A_29 = arith.constant dense<0.000000e+00> : vector<100xf32>
    %reduce_sum3A_30 = vector.multi_reduction <add>, %select_n3A_28, %reduce_sum3A_29 [1] : vector<100x100xf32> to vector<100xf32>
    %broadcast_in_dim3A_31 = vector.shape_cast %reduce_sum3A_30 : vector<100xf32> to vector<100x1xf32>
    %get3A_32 = arith.constant 0 : index
    %get3A_33 = arith.constant 0 : index
    %get3A_34 = vector.load %arg3[%get3A_32, %get3A_33] : memref<100x1xi32, #tpu.memory_space<vmem>>, vector<100x1xi32>
    %add3A_35 = arith.addi %broadcast_in_dim3A_23, %get3A_34 : vector<100x1xi32>
    %swap3A = arith.constant 0 : index
    %swap3A_36 = arith.constant 0 : index
    %swap3A_37 = vector.load %arg4[%swap3A, %swap3A_36] : memref<100x1xi32, #tpu.memory_space<vmem>>, vector<100x1xi32>
    tpu.vector_store %arg4[%swap3A, %swap3A_36], %add3A_35 {strides = array<i32>} : memref<100x1xi32, #tpu.memory_space<vmem>>, vector<100x1xi32>,
    %log3A_38 = math.log %broadcast_in_dim3A_31 : vector<100x1xf32>
    %swap3A_39 = arith.constant 0 : index
    %swap3A_40 = arith.constant 0 : index
    %swap3A_41 = vector.load %arg5[%swap3A_39, %swap3A_40] : memref<100x1xf32, #tpu.memory_space<vmem>>, vector<100x1xf32>
    tpu.vector_store %arg5[%swap3A_39, %swap3A_40], %log3A_38 {strides = array<i32>} : memref<100x1xf32, #tpu.memory_space<vmem>>, vector<100x1xf32>,
    return
  }
}

</mosaic_0001>

<sc_bundles>
// kernel: kernel.5.cloned.1.call-start
scs
__scs_entry_jumppad:
0x0: {  	(pc) =	sbr.rel $0x88, $3  }
0x1: {  	(tag) =	ssettag $0x0;
	lr =	simm.s32 $0x1  }
0x2: {  	[smem:$0x3F8F] =	sst lr;
	_ =	strace $0xD0000000  }
0x3: {  	_ = 	snop  }
0x4: {  	_ = 	snop  }
0x5: {  	_ = 	snop  }
0x6: {  	_ = 	snop  }
0x7: {  	_ = 	snop  }
__scs_overlays_trampoline_lowered:
0x8: {  	[smem:$0x3F9E] =	sst s0  }
0x9: {  	[smem:$0x3F9F] =	sst s1  }
0xa: {  	[smem:$0x3FA0] =	sst s2  }
0xb: {  	[smem:$0x3FA1] =	sst s3  }
0xc: {  	[smem:$0x3FA2] =	sst s4  }
0xd: {  	[smem:$0x3FA3] =	sst s5  }
0xe: {  	[smem:$0x3FA4] =	sst s6  }
0xf: {  	[smem:$0x3FA5] =	sst s7  }
0x10: {  	[smem:$0x3FA6] =	sst s8  }
0x11: {  	[smem:$0x3FA7] =	sst s9;
	s0 =	simm.s32 @!p0 $0x0  }
0x12: {  	s1 =	sld [smem:$0x3F8D];
	s0 =	simm.s32 @p0 $0x1  }
0x13: {  	[smem:$0x3FA8] =	sst s0;
	s0 =	simm.s32 @!p1 $0x0  }
0x14: {  	s2 =	sld [smem:$0x3F8C];
	s0 =	simm.s32 @p1 $0x1  }
0x15: {  	[smem:$0x3FA9] =	sst s0;
	s0 =	simm.s32 @!p2 $0x0  }
0x16: {  	s3 =	sld [smem:$0x3FDB];
	s0 =	simm.s32 @p2 $0x1  }
0x17: {  	s4 =	simm.s32 $0x1BF5;
	[smem:$0x3FAB] =	sst s0  }
0x18: {  	s0 =	sld [smem:$0x3F8E];
	_ =	swait.ge [sflag:s4], $0x0  }
0x19: {  	s7 =	sld [smem:$0x3F8F]  }
0x1a: {  	s8 =	sadd.s32 $0xFFFFE003, lr  }
0x1b: {  	s9 =	sadd.s32 $0xFFFFFEF7, lr;
	s5 =	simm.s32 $0xFFFFFFFF;
	p2 =	slt.u32 s8, $0xFFFFF086  }
0x1c: {  	p1 =	slt.u32 s9, $0xF7A;
	s5 =	simm.s32 @!p2 $0x0  }
0x1d: {  	s5 =	simm.s32 @p1 $0x1;
	p0 =	seq.s32 s7, s2  }
0x1e: {  	s7 =	smul.u32 @!p0 $0xF7A, s2;
	p2 =	seq.s32 @!p0 s5, $0x0  }
0x1f: {  	s9 =	smul.u32 $0xF7A, s1;
	s8 =	simm.s32 @!p0 $0x1BF5;
	p2 =	por !p2, p0  }
0x20: {  	[sflag:s8] =	ssyncset.s32 @!p0 $0xFFFFF086;
	s6 =	sadd.s32 @!p0 s3, s7;
	s7 =	simm.s32 @!p0 $0x108  }
0x21: {  	s3 =	sadd.s32 s3, s9;
	s6 =	sadd.s32 @!p0 $0x88, s6;
	s7 =	simm.s32 @p2 $0x1082  }
0x22: {  	[simem:s7], [sflag:s8] =	dma.local @!p0 [hbm:s6], $0xF7A  }
0x23: {  	s9 =	sor.u32 $0xD0000000, s2;
	s6 =	simm.s32 $0x108;
	_ =	swait.ge @!p0 [sflag:s8], $0x0  }
0x24: {  	s3 =	sadd.s32 $0x88, s3;
	s6 =	simm.s32 @!p1 $0x1082;
	[sflag:s4] =	ssyncset.s32 $0xFFFFF086  }
0x25: {  	[simem:s6], [sflag:s4] =	dma.local [hbm:s3], $0xF7A  }
0x26: {  	[smem:$0x3F8F] =	sst s1;
	(tag) =	ssettag s2;
	_ =	strace s9  }
0x27: {  	s1 =	sld [smem:$0x3F9F]  }
0x28: {  	s2 =	sld [smem:$0x3FA0]  }
0x29: {  	s4 =	sld [smem:$0x3FA2]  }
0x2a: {  	p0 =	seq.s32 s5, $0x0;
	s5 =	sld [smem:$0x3FA3]  }
0x2b: {  	s6 =	sld [smem:$0x3FA4]  }
0x2c: {  	s7 =	sld [smem:$0x3FA5]  }
0x2d: {  	s3 =	simm.s32 $0x108;
	s8 =	sld [smem:$0x3FA6]  }
0x2e: {  	s3 =	simm.s32 @!p0 $0x1082;
	s9 =	sld [smem:$0x3FA7]  }
0x2f: {  	lr =	sadd.s32 s0, s3;
	s0 =	sld [smem:$0x3F9E]  }
0x30: {  	s3 =	sld [smem:$0x3FA1]  }
0x31: {  	[smem:$0x3FAA] =	sst s10  }
0x32: {  	s10 =	sld [smem:$0x3FA8];
	_ =	sdelay $0x3  }
0x33: {  	p0 =	seq.s32 s10, $0x1;
	s10 =	sld [smem:$0x3FAA];
	_ =	sdelay $0x3  }
0x34: {  	[smem:$0x3FAA] =	sst s10  }
0x35: {  	s10 =	sld [smem:$0x3FA9];
	_ =	sdelay $0x3  }
0x36: {  	p1 =	seq.s32 s10, $0x1;
	s10 =	sld [smem:$0x3FAA];
	_ =	sdelay $0x3  }
0x37: {  	[smem:$0x3FAA] =	sst s10  }
0x38: {  	s10 =	sld [smem:$0x3FAB]  }
0x39: {  	_ = 	snop;
	(pc) =	sbr.ind lr, $3  }
0x3a: {  	_ = 	snop  }
0x3b: {  	_ = 	snop  }
0x3c: {  	p2 =	seq.s32 s10, $0x1;
	s10 =	sld [smem:$0x3FAA]  }
0x3d: {  	_ =	shalt  }
0x3e: {  	_ =	shalt  }
0x3f: {  	_ =	shalt  }
0x40: {  	_ =	shalt  }
0x41: {  	_ =	shalt  }
0x42: {  	_ =	shalt  }
0x43: {  	_ =	shalt  }
0x44: {  	_ =	shalt  }
0x45: {  	_ =	shalt  }
0x46: {  	_ =	shalt  }
0x47: {  	_ =	shalt  }
0x48: {  	_ =	shalt  }
0x49: {  	_ =	shalt  }
0x4a: {  	_ =	shalt  }
0x4b: {  	_ =	shalt  }
0x4c: {  	_ =	shalt  }
0x4d: {  	_ =	shalt  }
0x4e: {  	_ =	shalt  }
0x4f: {  	_ =	shalt  }
0x50: {  	_ =	shalt  }
0x51: {  	_ =	shalt  }
0x52: {  	_ =	shalt  }
0x53: {  	_ =	shalt  }
0x54: {  	_ =	shalt  }
0x55: {  	_ =	shalt  }
0x56: {  	_ =	shalt  }
0x57: {  	_ =	shalt  }
0x58: {  	_ =	shalt  }
0x59: {  	_ =	shalt  }
0x5a: {  	_ =	shalt  }
0x5b: {  	_ =	shalt  }
0x5c: {  	_ =	shalt  }
0x5d: {  	_ =	shalt  }
0x5e: {  	_ =	shalt  }
0x5f: {  	_ =	shalt  }
0x60: {  	_ =	shalt  }
0x61: {  	_ =	shalt  }
0x62: {  	_ =	shalt  }
0x63: {  	_ =	shalt  }
0x64: {  	_ =	shalt  }
0x65: {  	_ =	shalt  }
0x66: {  	_ =	shalt  }
0x67: {  	_ =	shalt  }
0x68: {  	_ =	shalt  }
0x69: {  	_ =	shalt  }
0x6a: {  	_ =	shalt  }
0x6b: {  	_ =	shalt  }
0x6c: {  	_ =	shalt  }
0x6d: {  	_ =	shalt  }
0x6e: {  	_ =	shalt  }
0x6f: {  	_ =	shalt  }
0x70: {  	_ =	shalt  }
0x71: {  	_ =	shalt  }
0x72: {  	_ =	shalt  }
0x73: {  	_ =	shalt  }
0x74: {  	_ =	shalt  }
0x75: {  	_ =	shalt  }
0x76: {  	_ =	shalt  }
0x77: {  	_ =	shalt  }
0x78: {  	_ =	shalt  }
0x79: {  	_ =	shalt  }
0x7a: {  	_ =	shalt  }
0x7b: {  	_ =	shalt  }
0x7c: {  	_ =	shalt  }
0x7d: {  	_ =	shalt  }
0x7e: {  	_ =	shalt  }
0x7f: {  	_ =	shalt  }
0x80: {  	_ =	shalt  }
0x81: {  	_ =	shalt  }
0x82: {  	_ =	shalt  }
0x83: {  	_ =	shalt  }
0x84: {  	_ =	shalt  }
0x85: {  	_ =	shalt  }
0x86: {  	_ =	shalt  }
0x87: {  	_ =	shalt  }
.Lfunc_end0:
.L_simem_size_0:
called_computation_lowered:
.L_overlay_start_0:
0x88: {  	s2 =	sld [smem:$0x3FD9]  }
0x89: {  	s3 =	sld [smem:$0x3FFE];
	_ =	sdelay $0x1  }
0x8a: {  	s1 =	srdreg.scid  }
0x8b: {  	s0 =	sand.u32 $0x1, s1  }
0x8c: {  	s17 =	sshll.u32 s0, $0xA;
	s2 =	sadd.s32 s3, s2  }
0x8d: {  	s2 =	sadd.s32 s2, s17  }
0x8e: {  	[smem:$0x3FB6] =	sst s2  }
0x8f: {  	_ = 	snop  }
0x90: {  	s2 =	sld [smem:$0x3FC9];
	(tm) =	ssettm $0x1  }
0x91: {  	s18 =	sld [smem:$0x3FFB];
	_ =	sdelay $0x3  }
0x92: {  	_ =	strace s18  }
0x93: {  	s3 =	sld [smem:$0x3FFC];
	_ =	sdelay $0x3  }
0x94: {  	_ =	strace s3  }
0x95: {  	s3 =	sld [smem:$0x3FFD];
	_ =	sdelay $0x3  }
0x96: {  	_ =	strace s3  }
0x97: {  	_ =	strace $0x8FFFFFFF  }
0x98: {  	s19 =	sld [smem:$0x3FDB];
	_ =	sdelay $0x1  }
0x99: {  	s4 =	simm.s32 $_scs_section_size  }
0x9a: {  	s5 =	simm.s32 $_size__tile_overlayer_lowered;
	s6 =	simm.s32 $_tile_overlayer_lowered  }
0x9b: {  	s22 =	simm.s32 $0x1BFF;
	s21 =	sshll.u32 s6, $0x1;
	s3 =	sadd.s32 s4, s19  }
0x9c: {  	s7 =	simm.s32 $0x0;
	s20 =	sshll.u32 s5, $0x1;
	s5 =	sadd.s32 s21, s3  }
0x9d: {  	[timem:s7], [sflag:s22] =	dma.local [hbm:s5], s20  }
0x9e: {  	_ =	swait.ge [sflag:s22], s20  }
0x9f: {  	s4 =	ssub.s32 $0x0, s20;
	[sflag:s22] =	ssyncset.done $0x0  }
0xa0: {  	[sflag:s22] =	ssyncadd.s32 s4;
	_ =	sdelay $0x1  }
0xa1: {  	s23 =	simm.s32 $0x1B8B  }
0xa2: {  	_ =	swait.ge [sflag:s23], $0x1  }
0xa3: {  	[sflag:s23] =	ssyncset.done $0x0  }
0xa4: {  	s25 =	simm.s32 $0x1B8E;
	s24 =	sld [smem:$0x3FFE];
	[sflag:s23] =	ssyncadd.s32 $0xFFFFFFFF  }
0xa5: {  	s26 =	simm.s32 $execute0_lowered;
	[smem:$0x3FD2] =	sst s25  }
0xa6: {  	s5 =	sshll.u32 s26, $0x1;
	_ =	strace $0x80000046;
	[dreg:$0x1] =	wrdreg $0xFFFFFFFF  }
0xa7: {  	s28 =	simm.s32 $_size_execute0_lowered;
	s3 =	sadd.s32 s3, s5;
	[dreg:$0x0] =	wrdreg $0x0  }
0xa8: {  	s5 =	sshll.u32 s28, $0x1;
	[dreg:$0x2] =	wrdreg s3  }
0xa9: {  	[dreg:$0x3] =	wrdreg s5  }
0xaa: {  	[dreg:$0x4] =	wrdreg $0xC0  }
0xab: {  	_ =	task [dreg:s7], $0x5FFFF  }
0xac: {  	[dreg:$0x1] =	wrdreg $0xFFFFFFFF  }
0xad: {  	[dreg:$0x0] =	wrdreg $0x60  }
0xae: {  	[dreg:$0x2] =	wrdreg s2  }
0xaf: {  	[dreg:$0x3] =	wrdreg s24  }
0xb0: {  	[dreg:$0x4] =	wrdreg $0xA4000  }
0xb1: {  	[dreg:$0x5] =	wrdreg $0x9  }
0xb2: {  	_ =	task.clear_ibuf [dreg:s7], $0x6FFFF;
	_ =	strace $0x90000046  }
0xb3: {  	s29 =	simm.s32 $0x9;
	_ =	strace $0x80000048  }
0xb4: {  	_ =	swait.ge [sflag:s29], $0x1  }
0xb5: {  	[sflag:s29] =	ssyncadd.s32 $0xFFFFFFFF  }
0xb6: {  	_ =	strace $0x90000048  }
0xb7: {  	_ =	sfence  }
0xb8: {  	s30 =	sld [smem:$0x0];
	_ =	sdelay $0x2  }
0xb9: {  	s31 =	sshll.u32 s1, $0xD;
	s1 =	sshrl.u32 s1, $0x2  }
0xba: {  	s3 =	sand.u32 $0x4000, s31;
	s1 =	sadd.s32 s1, s30  }
0xbb: {  	s0 =	sor.u32 s3, s0;
	s1 =	sshll.u32 s1, $0x11  }
0xbc: {  	s0 =	sor.u32 s1, s0  }
0xbd: {  	s0 =	sadd.s32 $0x8F2B, s0  }
0xbe: {  	[sflag:s0] =	ssyncadd.remote.s32 $0x1  }
0xbf: {  	_ =	sfence.sel $0xFFFF  }
0xc0: {  	[dreg:$0x0] =	wrdreg $0xFFFFFFFF;
	(pc) =	sbr.abs _section_cstart, $3  }
0xc1: {  	[dreg:$0x1] =	wrdreg $0xFFFFFFFF  }
0xc2: {  	_ =	task.clear_ibuf [dreg:s7], $0x2FFFF;
	_ =	strace $0x9FFFFFFF  }
0xc3: {  	(tm) =	ssettm $0x7FFFFFFF  }
tec
execute0_lowered:
.L_overlay_start_1:
0x0: {  	(tag) =	ssettag $0x1  }
0x1: {  	s1 =	rddreg [dreg:$0x0]  }
0x2: {  	s5 =	rddreg [dreg:$0x1]  }
0x3: {  	s2 =	rddreg [dreg:$0x2];
	s3 =	simm.s32 $0x0  }
0x4: {  	s0 =	stileid.u32;
	s7 =	srdreg.scid;
	s29 =	simm.s32 $0x280  }
0x5: {  	s30 =	simm.s32 $0x5;
	s31 =	simm.s32 $0x3;
	s28 =	simm.s32 $0x2C00  }
0x6: {  	[smem:$0x7FF] =	sst s3;
	s6 =	smul.u32 $0x13800, s0;
	s4 =	sadd.s32 $0x2000, s5  }
0x7: {  	s7 =	sand.u32 $0x1, s7;
	s10 =	smul.u32 $0x4E000, s0;
	s11 =	sadd.s32 $0x3CC00, s5  }
0x8: {  	s19 =	sshll.u32 s0, $0x6;
	s20 =	sadd.s32 $0x138000, s2;
	s24 =	smul.u32 $0x4E20, s0  }
0x9: {  	p0 =	sne.s32 s0, $0x0;
	_ =	strace $0x80000047;
	s9 =	ssub.s32 $0x2, s7  }
0xa: {  	s17 =	sshll.u32 s7, $0x4;
	[dreg:$0xf] =	wrdreg s20;
	s23 =	smul.u32 $0x138800, s7  }
0xb: {  	s15 =	sor.u32 $0x1C0D, s19;
	s7 =	smul.u32 $0x4E200, s7;
	[dreg:$0xb] =	wrdreg s4  }
0xc: {  	s8 =	sshrl.u32 s6, $0x3;
	s12 =	sshrl.u32 s9, $0x1;
	s10 =	sshrl.u32 s10, $0x2  }
0xd: {  	s18 =	ssub.s32 s0, s17;
	[dreg:$0xe] =	wrdreg s15;
	s8 =	sadd.s32 s8, s5  }
0xe: {  	s9 =	ssub.s32 s9, s12;
	s10 =	sadd.s32 s10, s2;
	s12 =	sor.u32 s0, s17  }
0xf: {  	s5 =	sadd.s32 $0x3CA00, s5;
	s6 =	sadd.s32 s6, s23;
	s26 =	sshrl.u32 s23, $0x3  }
0x10: {  	s0 =	simm.s32 $0x5400;
	[dreg:$0xc] =	wrdreg s10;
	s8 =	sadd.s32 $0x15A00, s8  }
0x11: {  	s21 =	smul.u32 $0x4E20, s12;
	[dreg:$0x10] =	wrdreg s5;
	s6 =	sshrl.u32 s6, $0x3  }
0x12: {  	[dreg:$0xd] =	wrdreg s8;
	s8 =	smul.u32 $0x4E20, s18;
	s6 =	sadd.s32 s11, s6  }
0x13: {  	s12 =	sadd.s32 s11, s26;
	s10 =	sshrl.u32 s21, $0x3;
	[dreg:$0x15] =	wrdreg s6  }
0x14: {  	s22 =	sadd.s32 $0x4E200, s8;
	s10 =	sadd.s32 s4, s10;
	s8 =	sadd.s32 $0x4E250, s8  }
0x15: {  	s5 =	sshrl.u32 s22, $0x3;
	[dreg:$0x11] =	wrdreg s10;
	s10 =	sadd.s32 $0xA, s10  }
0x16: {  	s8 =	sshrl.u32 s8, $0x3;
	s5 =	sadd.s32 s4, s5;
	[dreg:$0x13] =	wrdreg s10  }
0x17: {  	s10 =	sadd.s32 s24, s7;
	s8 =	sadd.s32 s4, s8;
	[dreg:$0x12] =	wrdreg s5  }
0x18: {  	s11 =	simm.s32 $0x7C00;
	[dreg:$0x14] =	wrdreg s8;
	s25 =	sadd.s32 $0x190, s10  }
0x19: {  	s5 =	ssub.s32 s24, s7;
	s17 =	sadd.s32 $0xF0, s10;
	s23 =	sadd.s32 $0xA0, s10  }
0x1a: {  	s7 =	sadd.s32 $0x27000, s12;
	s26 =	sadd.s32 $0x140, s10;
	s12 =	simm.s32 $0x9  }
0x1b: {  	s10 =	simm.s32 $0x8;
	s6 =	sshrl.u32 s25, $0x3;
	s13 =	sadd.s32 $0x4E390, s5  }
0x1c: {  	s16 =	sadd.s32 $0x4E340, s5;
	s19 =	sshrl.u32 s17, $0x3;
	s21 =	sadd.s32 $0x4E2F0, s5  }
0x1d: {  	s5 =	sadd.s32 $0x4E2A0, s5;
	[dreg:$0x16] =	wrdreg s7;
	s25 =	smax.u32 s9, $0x1  }
0x1e: {  	[dreg:$0x18] =	wrdreg s26;
	s9 =	simm.s32 $0x4;
	s17 =	simm.s32 $0x0  }
0x1f: {  	s26 =	simm.s32 $0x400;
	s6 =	sadd.s32 s6, s4;
	s14 =	sshrl.u32 s13, $0x3  }
0x20: {  	s8 =	sshrl.u32 s16, $0x3;
	s20 =	sadd.s32 s19, s4;
	s22 =	sshrl.u32 s21, $0x3  }
0x21: {  	s5 =	sshrl.u32 s5, $0x3;
	[dreg:$0x17] =	wrdreg s25;
	s16 =	simm.s32 $0xD  }
0x22: {  	s25 =	simm.s32 $0x2;
	s13 =	simm.s32 $0x7;
	[dreg:$0x4] =	wrdreg s6  }
0x23: {  	s6 =	sadd.s32 s14, s4;
	s18 =	sadd.s32 s8, s4;
	[dreg:$0x7] =	wrdreg s20  }
0x24: {  	s8 =	sshrl.u32 s23, $0x3;
	s5 =	sadd.s32 s5, s4;
	[dreg:$0x5] =	wrdreg s6  }
0x25: {  	s23 =	simm.s32 $0x50;
	s14 =	simm.s32 $0xA;
	[dreg:$0x6] =	wrdreg s18  }
0x26: {  	s6 =	sadd.s32 s22, s4;
	s24 =	sadd.s32 s8, s4;
	[dreg:$0xa] =	wrdreg s5  }
0x27: {  	s22 =	simm.s32 $0x1;
	s5 =	simm.s32 $0x300;
	[dreg:$0x8] =	wrdreg s6  }
0x28: {  	s8 =	simm.s32 $0x6;
	[dreg:$0x9] =	wrdreg s24;
	s6 =	simm.s32 $0x380  }
.LBB2_1:
0x29: {  	[dreg:$0x19] =	wrdreg s17  }
0x2a: {  	s4 =	rddreg [dreg:$0xc]  }
0x2b: {  	s21 =	rddreg [dreg:$0xd];
	s7 =	sshrl.u32 s4, $0x3  }
0x2c: {  	[dreg:$0x1a] =	wrdreg s7  }
0x2d: {  	[spmem:s7], [sflag:s15] =	dma.local [hbm:s21], $0x2700  }
0x2e: {  	_ =	swait.ge [sflag:s16], $0x2700  }
0x2f: {  	s4 =	rddreg [dreg:$0xf]  }
0x30: {  	[sflag:s16] =	ssyncset.done $0x0;
	s7 =	sshrl.u32 @!p0 s4, $0x3;
	s4 =	rddreg [dreg:$0x10]  }
0x31: {  	[sflag:s16] =	ssyncadd.s32 $0xFFFFD900;
	[dreg:$0x1b] =	wrdreg s7  }
0x32: {  	[spmem:s7], [sflag:s15] =	dma.local @!p0 [hbm:s4], $0x100  }
0x33: {  	s7 =	simm.s32 @!p0 $0xD  }
0x34: {  	_ =	swait.ge @!p0 [sflag:s7], $0x100  }
0x35: {  	[sflag:s7] =	ssyncset.done @!p0 $0x0  }
0x36: {  	[sflag:s7] =	ssyncadd.s32 @!p0 $0xFFFFFF00  }
0x37: {  	[bflag:$0x0] =	sbarrier.arrive $0xFFFF  }
0x38: {  	s24 =	rddreg [dreg:$0x11]  }
0x39: {  	[tilespmem:s3], [sflag:$0x1] =	stream.linear.gather [hbm4b:s24+s3], $0x50, $0x38;
	[tilespmem:$0x1DC80] =	vst v63  }
0x3a: {  	s18 =	simm.s32 $0x80;
	s7 =	rddreg [dreg:$0x12]  }
0x3b: {  	[tilespmem:s18], [sflag:$0x1] =	stream.linear.gather [hbm4b:s7+s3], $0x50, $0x38;
	[tilespmem:$0x1DC80] =	vst v63  }
0x3c: {  	s19 =	simm.s32 $0x100;
	s15 =	rddreg [dreg:$0x13]  }
0x3d: {  	[tilespmem:s19], [sflag:$0x2] =	stream.linear.gather [hbm4b:s15+s3], $0x50, $0x38;
	[tilespmem:$0x1DC80] =	vst v63  }
0x3e: {  	s20 =	simm.s32 $0x180;
	s16 =	rddreg [dreg:$0x14]  }
0x3f: {  	[tilespmem:s20], [sflag:$0x2] =	stream.linear.gather [hbm4b:s16+s3], $0x50, $0x38;
	[tilespmem:$0x1DC80] =	vst v63  }
0x40: {  	_ =	swait.ge [sflag:s22], $0x50  }
0x41: {  	[sflag:s22] =	ssyncset.done $0x0  }
0x42: {  	[sflag:s22] =	ssyncadd.s32 $0xFFFFFFB0  }
0x43: {  	_ =	swait.ge [sflag:s22], $0x50  }
0x44: {  	[sflag:s22] =	ssyncset.done $0x0  }
0x45: {  	s21 =	simm.s32 $0x400;
	[sflag:s22] =	ssyncadd.s32 $0xFFFFFFB0  }
0x46: {  	[tilespmem:s21], [sflag:$0x5] =	stream.indirect.gather [hbm4b:s1+s23], $0x80, s3, s23, $0xb8;
	[tilespmem:$0x1DC80] =	vst v63  }
0x47: {  	_ =	swait.ge [sflag:s25], $0x50  }
0x48: {  	[sflag:s25] =	ssyncset.done $0x0  }
0x49: {  	[sflag:s25] =	ssyncadd.s32 $0xFFFFFFB0  }
0x4a: {  	_ =	swait.ge [sflag:s25], $0x50  }
0x4b: {  	p1 =	por $0x1, $0x1;
	[sflag:s25] =	ssyncset.done $0x0  }
0x4c: {  	s4 =	simm.s32 $0x2C00;
	s7 =	simm.s32 @!p1 $0xB;
	[sflag:s25] =	ssyncadd.s32 $0xFFFFFFB0  }
0x4d: {  	[tilespmem:s4], [sflag:$0x6] =	stream.indirect.gather [hbm4b:s1+s23], $0x80, s19, s23, $0xb8;
	[tilespmem:$0x1DC80] =	vst v63  }
0x4e: {  	_ =	swait.ge @!p1 [sflag:s7], $0x2800  }
0x4f: {  	s16 =	simm.s32 $0x200;
	s17 =	rddreg [dreg:$0x9];
	[sflag:s7] =	ssyncset.done @!p1 $0x0  }
0x50: {  	s24 =	rddreg [dreg:$0xa];
	[sflag:s7] =	ssyncadd.s32 @!p1 $0xFFFFD800;
	s15 =	sadd.s32 $0x0, s17  }
0x51: {  	[tilespmem:s16], [sflag:$0x3] =	stream.linear.gather [hbm4b:s15+s3], $0x50, $0x38;
	[tilespmem:$0x1DC80] =	vst v63  }
0x52: {  	s17 =	sadd.s32 $0x0, s24  }
0x53: {  	[tilespmem:s29], [sflag:$0x3] =	stream.linear.gather [hbm4b:s17+s3], $0x50, $0x38;
	[tilespmem:$0x1DC80] =	vst v63  }
0x54: {  	_ =	swait.ge [sflag:s30], $0x2800  }
0x55: {  	[sflag:s30] =	ssyncset.done $0x0  }
0x56: {  	[sflag:s30] =	ssyncadd.s32 $0xFFFFD800  }
0x57: {  	[spmem:s2] =	stream.indirect.scatter.add.f32 [tilespmem:s21], [sflag:$0x9], $0x80, s18, s23, $0xb8;
	[tilespmem:$0x1DC80] =	vst v63  }
0x58: {  	_ =	swait.ge [sflag:s31], $0x50  }
0x59: {  	[sflag:s31] =	ssyncset.done $0x0  }
0x5a: {  	[sflag:s31] =	ssyncadd.s32 $0xFFFFFFB0  }
0x5b: {  	_ =	swait.ge [sflag:s31], $0x50  }
0x5c: {  	[sflag:s31] =	ssyncset.done $0x0  }
0x5d: {  	s7 =	simm.s32 @!p1 $0xC;
	[sflag:s31] =	ssyncadd.s32 $0xFFFFFFB0  }
0x5e: {  	[tilespmem:s0], [sflag:$0x7] =	stream.indirect.gather [hbm4b:s1+s23], $0x80, s16, s23, $0xb8;
	[tilespmem:$0x1DC80] =	vst v63  }
0x5f: {  	_ =	swait.ge @!p1 [sflag:s7], $0x2800  }
0x60: {  	s24 =	rddreg [dreg:$0x7];
	[sflag:s7] =	ssyncset.done @!p1 $0x0  }
0x61: {  	s15 =	rddreg [dreg:$0x8];
	[sflag:s7] =	ssyncadd.s32 @!p1 $0xFFFFD800;
	s24 =	sadd.s32 $0x0, s24  }
0x62: {  	[tilespmem:s5], [sflag:$0x4] =	stream.linear.gather [hbm4b:s24+s3], $0x50, $0x38;
	[tilespmem:$0x1DC80] =	vst v63  }
0x63: {  	s15 =	sadd.s32 $0x0, s15  }
0x64: {  	[tilespmem:s6], [sflag:$0x4] =	stream.linear.gather [hbm4b:s15+s3], $0x50, $0x38;
	[tilespmem:$0x1DC80] =	vst v63  }
0x65: {  	_ =	swait.ge [sflag:s8], $0x2800  }
0x66: {  	[sflag:s8] =	ssyncset.done $0x0  }
0x67: {  	[sflag:s8] =	ssyncadd.s32 $0xFFFFD800  }
0x68: {  	[spmem:s2] =	stream.indirect.scatter.add.f32 [tilespmem:s4], [sflag:$0xA], $0x80, s20, s23, $0xb8;
	[tilespmem:$0x1DC80] =	vst v63  }
0x69: {  	_ =	swait.ge [sflag:s9], $0x50  }
0x6a: {  	[sflag:s9] =	ssyncset.done $0x0  }
0x6b: {  	[sflag:s9] =	ssyncadd.s32 $0xFFFFFFB0  }
0x6c: {  	_ =	swait.ge [sflag:s9], $0x50  }
0x6d: {  	[sflag:s9] =	ssyncset.done $0x0  }
0x6e: {  	[sflag:s9] =	ssyncadd.s32 $0xFFFFFFB0  }
0x6f: {  	[tilespmem:s11], [sflag:$0x8] =	stream.indirect.gather [hbm4b:s1+s23], $0x80, s5, s23, $0xb8;
	[tilespmem:$0x1DC80] =	vst v63  }
0x70: {  	_ =	swait.ge [sflag:s12], $0x2800  }
0x71: {  	[sflag:s12] =	ssyncset.done $0x0  }
0x72: {  	[sflag:s12] =	ssyncadd.s32 $0xFFFFD800  }
0x73: {  	_ =	swait.ge [sflag:s13], $0x2800  }
0x74: {  	[sflag:s13] =	ssyncset.done $0x0;
	s15 =	rddreg [dreg:$0x18]  }
0x75: {  	s24 =	rddreg [dreg:$0xb];
	[sflag:s13] =	ssyncadd.s32 $0xFFFFD800;
	s16 =	sshrl.u32 s15, $0x3  }
0x76: {  	[spmem:s2] =	stream.indirect.scatter.add.f32 [tilespmem:s0], [sflag:$0xB], $0x80, s29, s23, $0xb8;
	[tilespmem:$0x1DC80] =	vst v63  }
0x77: {  	s17 =	rddreg [dreg:$0x6];
	s7 =	sadd.s32 s24, s16  }
0x78: {  	[tilespmem:s3], [sflag:$0x1] =	stream.linear.gather [hbm4b:s7+s3], $0x50, $0x38;
	[tilespmem:$0x1DC80] =	vst v63  }
0x79: {  	s17 =	sadd.s32 $0x0, s17  }
0x7a: {  	[tilespmem:s18], [sflag:$0x1] =	stream.linear.gather [hbm4b:s17+s3], $0x50, $0x38;
	[tilespmem:$0x1DC80] =	vst v63  }
0x7b: {  	_ =	swait.ge [sflag:s22], $0x50  }
0x7c: {  	[sflag:s22] =	ssyncset.done $0x0  }
0x7d: {  	[sflag:s22] =	ssyncadd.s32 $0xFFFFFFB0  }
0x7e: {  	_ =	swait.ge [sflag:s22], $0x50  }
0x7f: {  	[sflag:s22] =	ssyncset.done $0x0  }
0x80: {  	[sflag:s22] =	ssyncadd.s32 $0xFFFFFFB0  }
0x81: {  	[tilespmem:s21], [sflag:$0x5] =	stream.indirect.gather [hbm4b:s1+s23], $0x80, s3, s23, $0xb8;
	[tilespmem:$0x1DC80] =	vst v63  }
0x82: {  	_ =	swait.ge [sflag:s14], $0x2800  }
0x83: {  	[sflag:s14] =	ssyncset.done $0x0  }
0x84: {  	[sflag:s14] =	ssyncadd.s32 $0xFFFFD800  }
0x85: {  	_ =	swait.ge [sflag:s10], $0x2800  }
0x86: {  	[sflag:s10] =	ssyncset.done $0x0  }
0x87: {  	s18 =	rddreg [dreg:$0x4];
	[sflag:s10] =	ssyncadd.s32 $0xFFFFD800  }
0x88: {  	[spmem:s2] =	stream.indirect.scatter.add.f32 [tilespmem:s11], [sflag:$0xC], $0x80, s6, s23, $0xb8;
	[tilespmem:$0x1DC80] =	vst v63  }
0x89: {  	s21 =	rddreg [dreg:$0x5];
	s7 =	sadd.s32 $0x0, s18  }
0x8a: {  	[tilespmem:s19], [sflag:$0x2] =	stream.linear.gather [hbm4b:s7+s3], $0x50, $0x38;
	[tilespmem:$0x1DC80] =	vst v63  }
0x8b: {  	s24 =	sadd.s32 $0x0, s21  }
0x8c: {  	[tilespmem:s20], [sflag:$0x2] =	stream.linear.gather [hbm4b:s24+s3], $0x50, $0x38;
	[tilespmem:$0x1DC80] =	vst v63  }
0x8d: {  	_ =	swait.ge [sflag:s25], $0x50  }
0x8e: {  	[sflag:s25] =	ssyncset.done $0x0  }
0x8f: {  	[sflag:s25] =	ssyncadd.s32 $0xFFFFFFB0  }
0x90: {  	p2 =	por $0x0, $0x0;
	s16 =	sadd.s32 $0x140, s15;
	_ =	swait.ge [sflag:s25], $0x50  }
0x91: {  	s17 =	simm.s32 $0x50;
	s18 =	simm.s32 $0x28;
	[sflag:s25] =	ssyncset.done $0x0  }
.LBB2_2:
0x92: {  	s15 =	simm.s32 @!p2 $0xB;
	[sflag:s25] =	ssyncadd.s32 $0xFFFFFFB0;
	s21 =	simm.s32 $0x100  }
0x93: {  	[tilespmem:s28], [sflag:$0x6] =	stream.indirect.gather [hbm4b:s1+s23], $0x80, s21, s23, $0xb8;
	[tilespmem:$0x1DC80] =	vst v63  }
0x94: {  	_ =	swait.ge @!p2 [sflag:s15], $0x2800  }
0x95: {  	s19 =	simm.s32 $0x200;
	[sflag:s15] =	ssyncset.done @!p2 $0x0;
	s4 =	rddreg [dreg:$0x9]  }
0x96: {  	s24 =	rddreg [dreg:$0xa];
	[sflag:s15] =	ssyncadd.s32 @!p2 $0xFFFFD800;
	s4 =	sadd.s32 s18, s4  }
0x97: {  	[tilespmem:s19], [sflag:$0x3] =	stream.linear.gather [hbm4b:s4+s3], $0x50, $0x38;
	[tilespmem:$0x1DC80] =	vst v63  }
0x98: {  	s15 =	sadd.s32 s18, s24  }
0x99: {  	[tilespmem:s29], [sflag:$0x3] =	stream.linear.gather [hbm4b:s15+s3], $0x50, $0x38;
	[tilespmem:$0x1DC80] =	vst v63  }
0x9a: {  	_ =	swait.ge [sflag:s30], $0x2800  }
0x9b: {  	[sflag:s30] =	ssyncset.done $0x0  }
0x9c: {  	s20 =	simm.s32 $0x80;
	[sflag:s30] =	ssyncadd.s32 $0xFFFFD800  }
0x9d: {  	[spmem:s2] =	stream.indirect.scatter.add.f32 [tilespmem:s26], [sflag:$0x9], $0x80, s20, s23, $0xb8;
	[tilespmem:$0x1DC80] =	vst v63  }
0x9e: {  	_ =	swait.ge [sflag:s31], $0x50  }
0x9f: {  	[sflag:s31] =	ssyncset.done $0x0  }
0xa0: {  	[sflag:s31] =	ssyncadd.s32 $0xFFFFFFB0  }
0xa1: {  	_ =	swait.ge [sflag:s31], $0x50  }
0xa2: {  	[sflag:s31] =	ssyncset.done $0x0  }
0xa3: {  	s4 =	simm.s32 @!p2 $0xC;
	[sflag:s31] =	ssyncadd.s32 $0xFFFFFFB0  }
0xa4: {  	[tilespmem:s0], [sflag:$0x7] =	stream.indirect.gather [hbm4b:s1+s23], $0x80, s19, s23, $0xb8;
	[tilespmem:$0x1DC80] =	vst v63  }
0xa5: {  	_ =	swait.ge @!p2 [sflag:s4], $0x2800  }
0xa6: {  	s19 =	rddreg [dreg:$0x7];
	[sflag:s4] =	ssyncset.done @!p2 $0x0  }
0xa7: {  	s24 =	rddreg [dreg:$0x8];
	[sflag:s4] =	ssyncadd.s32 @!p2 $0xFFFFD800;
	s15 =	sadd.s32 s18, s19  }
0xa8: {  	[tilespmem:s5], [sflag:$0x4] =	stream.linear.gather [hbm4b:s15+s3], $0x50, $0x38;
	[tilespmem:$0x1DC80] =	vst v63  }
0xa9: {  	s24 =	sadd.s32 s18, s24  }
0xaa: {  	[tilespmem:s6], [sflag:$0x4] =	stream.linear.gather [hbm4b:s24+s3], $0x50, $0x38;
	[tilespmem:$0x1DC80] =	vst v63  }
0xab: {  	_ =	swait.ge [sflag:s8], $0x2800  }
0xac: {  	[sflag:s8] =	ssyncset.done $0x0  }
0xad: {  	s24 =	simm.s32 $0x180;
	[sflag:s8] =	ssyncadd.s32 $0xFFFFD800  }
0xae: {  	[spmem:s2] =	stream.indirect.scatter.add.f32 [tilespmem:s28], [sflag:$0xA], $0x80, s24, s23, $0xb8;
	[tilespmem:$0x1DC80] =	vst v63  }
0xaf: {  	_ =	swait.ge [sflag:s9], $0x50  }
0xb0: {  	[sflag:s9] =	ssyncset.done $0x0  }
0xb1: {  	[sflag:s9] =	ssyncadd.s32 $0xFFFFFFB0  }
0xb2: {  	_ =	swait.ge [sflag:s9], $0x50  }
0xb3: {  	[sflag:s9] =	ssyncset.done $0x0  }
0xb4: {  	[sflag:s9] =	ssyncadd.s32 $0xFFFFFFB0  }
0xb5: {  	[tilespmem:s11], [sflag:$0x8] =	stream.indirect.gather [hbm4b:s1+s23], $0x80, s5, s23, $0xb8;
	[tilespmem:$0x1DC80] =	vst v63  }
0xb6: {  	_ =	swait.ge [sflag:s12], $0x2800  }
0xb7: {  	[sflag:s12] =	ssyncset.done $0x0  }
0xb8: {  	[sflag:s12] =	ssyncadd.s32 $0xFFFFD800  }
0xb9: {  	_ =	swait.ge [sflag:s13], $0x2800  }
0xba: {  	[sflag:s13] =	ssyncset.done $0x0  }
0xbb: {  	s4 =	sshrl.u32 s16, $0x3;
	s19 =	rddreg [dreg:$0xb];
	[sflag:s13] =	ssyncadd.s32 $0xFFFFD800  }
0xbc: {  	[spmem:s2] =	stream.indirect.scatter.add.f32 [tilespmem:s0], [sflag:$0xB], $0x80, s29, s23, $0xb8;
	[tilespmem:$0x1DC80] =	vst v63  }
0xbd: {  	s15 =	rddreg [dreg:$0x6];
	s4 =	sadd.s32 s19, s4  }
0xbe: {  	[tilespmem:s3], [sflag:$0x1] =	stream.linear.gather [hbm4b:s4+s3], $0x50, $0x38;
	[tilespmem:$0x1DC80] =	vst v63  }
0xbf: {  	s15 =	sadd.s32 s18, s15  }
0xc0: {  	[tilespmem:s20], [sflag:$0x1] =	stream.linear.gather [hbm4b:s15+s3], $0x50, $0x38;
	[tilespmem:$0x1DC80] =	vst v63  }
0xc1: {  	_ =	swait.ge [sflag:s22], $0x50  }
0xc2: {  	[sflag:s22] =	ssyncset.done $0x0  }
0xc3: {  	[sflag:s22] =	ssyncadd.s32 $0xFFFFFFB0  }
0xc4: {  	_ =	swait.ge [sflag:s22], $0x50  }
0xc5: {  	[sflag:s22] =	ssyncset.done $0x0  }
0xc6: {  	[sflag:s22] =	ssyncadd.s32 $0xFFFFFFB0  }
0xc7: {  	[tilespmem:s26], [sflag:$0x5] =	stream.indirect.gather [hbm4b:s1+s23], $0x80, s3, s23, $0xb8;
	[tilespmem:$0x1DC80] =	vst v63  }
0xc8: {  	_ =	swait.ge [sflag:s14], $0x2800  }
0xc9: {  	[sflag:s14] =	ssyncset.done $0x0  }
0xca: {  	[sflag:s14] =	ssyncadd.s32 $0xFFFFD800  }
0xcb: {  	_ =	swait.ge [sflag:s10], $0x2800  }
0xcc: {  	[sflag:s10] =	ssyncset.done $0x0  }
0xcd: {  	s7 =	smov.u32 s17;
	s19 =	rddreg [dreg:$0x4];
	[sflag:s10] =	ssyncadd.s32 $0xFFFFD800  }
0xce: {  	[spmem:s2] =	stream.indirect.scatter.add.f32 [tilespmem:s11], [sflag:$0xC], $0x80, s6, s23, $0xb8;
	[tilespmem:$0x1DC80] =	vst v63  }
0xcf: {  	s17 =	sadd.s32 $0x28, s17;
	s20 =	rddreg [dreg:$0x5];
	s4 =	sadd.s32 s18, s19  }
0xd0: {  	[tilespmem:s21], [sflag:$0x2] =	stream.linear.gather [hbm4b:s4+s3], $0x50, $0x38;
	[tilespmem:$0x1DC80] =	vst v63  }
0xd1: {  	p1 =	sne.s32 s17, $0x9B0;
	s21 =	sadd.s32 s18, s20  }
0xd2: {  	[tilespmem:s24], [sflag:$0x2] =	stream.linear.gather [hbm4b:s21+s3], $0x50, $0x38;
	[tilespmem:$0x1DC80] =	vst v63  }
.Ltmp0:
0xd3: {  	_ =	swait.ge [sflag:s25], $0x50;
	(pc) =	sbr.rel @p1 .LBB2_2-.Ltmp0, $4  }
0xd4: {  	[sflag:s25] =	ssyncset.done $0x0  }
0xd5: {  	[sflag:s25] =	ssyncadd.s32 $0xFFFFFFB0  }
0xd6: {  	s18 =	smov.u32 s7;
	_ =	swait.ge [sflag:s25], $0x50  }
0xd7: {  	s16 =	sadd.s32 $0x140, s16;
	p2 =	seq.s32 s18, $0x0;
	[sflag:s25] =	ssyncset.done $0x0  }
0xd8: {  	s4 =	simm.s32 @!p2 $0xB  }
0xd9: {  	[sflag:s25] =	ssyncadd.s32 $0xFFFFFFB0;
	s19 =	simm.s32 $0x100;
	s24 =	simm.s32 $0x2C00  }
0xda: {  	[tilespmem:s24], [sflag:$0x6] =	stream.indirect.gather [hbm4b:s1+s23], $0x80, s19, s23, $0xb8;
	[tilespmem:$0x1DC80] =	vst v63  }
0xdb: {  	_ =	swait.ge @!p2 [sflag:s4], $0x2800  }
0xdc: {  	s20 =	simm.s32 $0x200;
	s7 =	rddreg [dreg:$0x9];
	[sflag:s4] =	ssyncset.done @!p2 $0x0  }
0xdd: {  	s15 =	rddreg [dreg:$0xa];
	[sflag:s4] =	ssyncadd.s32 @!p2 $0xFFFFD800;
	s17 =	sadd.s32 s18, s7  }
0xde: {  	[tilespmem:s20], [sflag:$0x3] =	stream.linear.gather [hbm4b:s17+s3], $0x50, $0x38;
	[tilespmem:$0x1DC80] =	vst v63  }
0xdf: {  	s17 =	sadd.s32 s18, s15  }
0xe0: {  	[tilespmem:s29], [sflag:$0x3] =	stream.linear.gather [hbm4b:s17+s3], $0x50, $0x38;
	[tilespmem:$0x1DC80] =	vst v63  }
0xe1: {  	_ =	swait.ge [sflag:s30], $0x2800  }
0xe2: {  	[sflag:s30] =	ssyncset.done $0x0  }
0xe3: {  	s21 =	simm.s32 $0x400;
	s17 =	simm.s32 $0x80;
	[sflag:s30] =	ssyncadd.s32 $0xFFFFD800  }
0xe4: {  	[spmem:s2] =	stream.indirect.scatter.add.f32 [tilespmem:s21], [sflag:$0x9], $0x80, s17, s23, $0xb8;
	[tilespmem:$0x1DC80] =	vst v63  }
0xe5: {  	_ =	swait.ge [sflag:s31], $0x50  }
0xe6: {  	[sflag:s31] =	ssyncset.done $0x0  }
0xe7: {  	[sflag:s31] =	ssyncadd.s32 $0xFFFFFFB0  }
0xe8: {  	_ =	swait.ge [sflag:s31], $0x50  }
0xe9: {  	[sflag:s31] =	ssyncset.done $0x0  }
0xea: {  	s4 =	simm.s32 @!p2 $0xC;
	[sflag:s31] =	ssyncadd.s32 $0xFFFFFFB0  }
0xeb: {  	[tilespmem:s0], [sflag:$0x7] =	stream.indirect.gather [hbm4b:s1+s23], $0x80, s20, s23, $0xb8;
	[tilespmem:$0x1DC80] =	vst v63  }
0xec: {  	_ =	swait.ge @!p2 [sflag:s4], $0x2800  }
0xed: {  	s20 =	rddreg [dreg:$0x7];
	[sflag:s4] =	ssyncset.done @!p2 $0x0  }
0xee: {  	s15 =	rddreg [dreg:$0x8];
	[sflag:s4] =	ssyncadd.s32 @!p2 $0xFFFFD800;
	s20 =	sadd.s32 s18, s20  }
0xef: {  	[tilespmem:s5], [sflag:$0x4] =	stream.linear.gather [hbm4b:s20+s3], $0x50, $0x38;
	[tilespmem:$0x1DC80] =	vst v63  }
0xf0: {  	s7 =	sadd.s32 s18, s15  }
0xf1: {  	[tilespmem:s6], [sflag:$0x4] =	stream.linear.gather [hbm4b:s7+s3], $0x50, $0x38;
	[tilespmem:$0x1DC80] =	vst v63  }
0xf2: {  	_ =	swait.ge [sflag:s8], $0x2800  }
0xf3: {  	[sflag:s8] =	ssyncset.done $0x0  }
0xf4: {  	s20 =	simm.s32 $0x180;
	[sflag:s8] =	ssyncadd.s32 $0xFFFFD800  }
0xf5: {  	[spmem:s2] =	stream.indirect.scatter.add.f32 [tilespmem:s24], [sflag:$0xA], $0x80, s20, s23, $0xb8;
	[tilespmem:$0x1DC80] =	vst v63  }
0xf6: {  	_ =	swait.ge [sflag:s9], $0x50  }
0xf7: {  	[sflag:s9] =	ssyncset.done $0x0  }
0xf8: {  	[sflag:s9] =	ssyncadd.s32 $0xFFFFFFB0  }
0xf9: {  	_ =	swait.ge [sflag:s9], $0x50  }
0xfa: {  	[sflag:s9] =	ssyncset.done $0x0  }
0xfb: {  	[sflag:s9] =	ssyncadd.s32 $0xFFFFFFB0  }
0xfc: {  	[tilespmem:s11], [sflag:$0x8] =	stream.indirect.gather [hbm4b:s1+s23], $0x80, s5, s23, $0xb8;
	[tilespmem:$0x1DC80] =	vst v63  }
0xfd: {  	_ =	swait.ge [sflag:s12], $0x2800  }
0xfe: {  	[sflag:s12] =	ssyncset.done $0x0  }
0xff: {  	[sflag:s12] =	ssyncadd.s32 $0xFFFFD800  }
0x100: {  	_ =	swait.ge [sflag:s13], $0x2800  }
0x101: {  	[sflag:s13] =	ssyncset.done $0x0  }
0x102: {  	s15 =	sshrl.u32 s16, $0x3;
	s16 =	rddreg [dreg:$0xb];
	[sflag:s13] =	ssyncadd.s32 $0xFFFFD800  }
0x103: {  	[spmem:s2] =	stream.indirect.scatter.add.f32 [tilespmem:s0], [sflag:$0xB], $0x80, s29, s23, $0xb8;
	[tilespmem:$0x1DC80] =	vst v63  }
0x104: {  	s7 =	rddreg [dreg:$0x6];
	s4 =	sadd.s32 s16, s15  }
0x105: {  	[tilespmem:s3], [sflag:$0x1] =	stream.linear.gather [hbm4b:s4+s3], $0x50, $0x38;
	[tilespmem:$0x1DC80] =	vst v63  }
0x106: {  	s7 =	sadd.s32 s18, s7  }
0x107: {  	[tilespmem:s17], [sflag:$0x1] =	stream.linear.gather [hbm4b:s7+s3], $0x50, $0x38;
	[tilespmem:$0x1DC80] =	vst v63  }
0x108: {  	_ =	swait.ge [sflag:s22], $0x50  }
0x109: {  	[sflag:s22] =	ssyncset.done $0x0  }
0x10a: {  	[sflag:s22] =	ssyncadd.s32 $0xFFFFFFB0  }
0x10b: {  	_ =	swait.ge [sflag:s22], $0x50  }
0x10c: {  	[sflag:s22] =	ssyncset.done $0x0  }
0x10d: {  	[sflag:s22] =	ssyncadd.s32 $0xFFFFFFB0  }
0x10e: {  	[tilespmem:s21], [sflag:$0x5] =	stream.indirect.gather [hbm4b:s1+s23], $0x80, s3, s23, $0xb8;
	[tilespmem:$0x1DC80] =	vst v63  }
0x10f: {  	_ =	swait.ge [sflag:s14], $0x2800  }
0x110: {  	[sflag:s14] =	ssyncset.done $0x0  }
0x111: {  	[sflag:s14] =	ssyncadd.s32 $0xFFFFD800  }
0x112: {  	_ =	swait.ge [sflag:s10], $0x2800  }
0x113: {  	[sflag:s10] =	ssyncset.done $0x0  }
0x114: {  	s15 =	rddreg [dreg:$0x4];
	[sflag:s10] =	ssyncadd.s32 $0xFFFFD800  }
0x115: {  	[spmem:s2] =	stream.indirect.scatter.add.f32 [tilespmem:s11], [sflag:$0xC], $0x80, s6, s23, $0xb8;
	[tilespmem:$0x1DC80] =	vst v63  }
0x116: {  	s16 =	rddreg [dreg:$0x5];
	s4 =	sadd.s32 s18, s15  }
0x117: {  	[tilespmem:s19], [sflag:$0x2] =	stream.linear.gather [hbm4b:s4+s3], $0x50, $0x38;
	[tilespmem:$0x1DC80] =	vst v63  }
0x118: {  	s15 =	sadd.s32 s18, s16  }
0x119: {  	[tilespmem:s20], [sflag:$0x2] =	stream.linear.gather [hbm4b:s15+s3], $0x50, $0x38;
	[tilespmem:$0x1DC80] =	vst v63  }
0x11a: {  	_ =	swait.ge [sflag:s25], $0x50  }
0x11b: {  	[sflag:s25] =	ssyncset.done $0x0  }
0x11c: {  	[sflag:s25] =	ssyncadd.s32 $0xFFFFFFB0  }
0x11d: {  	_ =	swait.ge [sflag:s25], $0x50  }
0x11e: {  	[sflag:s25] =	ssyncset.done $0x0  }
0x11f: {  	s16 =	simm.s32 $0xB;
	[sflag:s25] =	ssyncadd.s32 $0xFFFFFFB0  }
0x120: {  	[tilespmem:s24], [sflag:$0x6] =	stream.indirect.gather [hbm4b:s1+s23], $0x80, s19, s23, $0xb8;
	[tilespmem:$0x1DC80] =	vst v63  }
0x121: {  	_ =	swait.ge [sflag:s16], $0x2800  }
0x122: {  	[sflag:s16] =	ssyncset.done $0x0  }
0x123: {  	[sflag:s16] =	ssyncadd.s32 $0xFFFFD800  }
0x124: {  	_ =	swait.ge [sflag:s30], $0x2800  }
0x125: {  	[sflag:s30] =	ssyncset.done $0x0  }
0x126: {  	s18 =	simm.s32 $0xC;
	[sflag:s30] =	ssyncadd.s32 $0xFFFFD800  }
0x127: {  	[spmem:s2] =	stream.indirect.scatter.add.f32 [tilespmem:s21], [sflag:$0x9], $0x80, s17, s23, $0xb8;
	[tilespmem:$0x1DC80] =	vst v63  }
0x128: {  	_ =	swait.ge [sflag:s18], $0x2800  }
0x129: {  	[sflag:s18] =	ssyncset.done $0x0  }
0x12a: {  	[sflag:s18] =	ssyncadd.s32 $0xFFFFD800  }
0x12b: {  	_ =	swait.ge [sflag:s8], $0x2800  }
0x12c: {  	[sflag:s8] =	ssyncset.done $0x0  }
0x12d: {  	[sflag:s8] =	ssyncadd.s32 $0xFFFFD800  }
0x12e: {  	[spmem:s2] =	stream.indirect.scatter.add.f32 [tilespmem:s24], [sflag:$0xA], $0x80, s20, s23, $0xb8;
	[tilespmem:$0x1DC80] =	vst v63  }
0x12f: {  	_ =	swait.ge [sflag:s12], $0x2800  }
0x130: {  	[sflag:s12] =	ssyncset.done $0x0  }
0x131: {  	[sflag:s12] =	ssyncadd.s32 $0xFFFFD800  }
0x132: {  	_ =	swait.ge [sflag:s14], $0x2800  }
0x133: {  	[sflag:s14] =	ssyncset.done $0x0  }
0x134: {  	[sflag:s14] =	ssyncadd.s32 $0xFFFFD800  }
0x135: {  	[bflag:$0x0] =	sbarrier.arrive $0xFFFF  }
0x136: {  	s15 =	rddreg [dreg:$0xe]  }
0x137: {  	s19 =	rddreg [dreg:$0x15]  }
0x138: {  	s16 =	simm.s32 $0xD;
	s20 =	rddreg [dreg:$0x1a]  }
0x139: {  	[hbm:s19], [sflag:s15] =	dma.local [spmem:s20], $0x2700  }
0x13a: {  	_ =	swait.ge [sflag:s16], $0x2700  }
0x13b: {  	[sflag:s16] =	ssyncset.done $0x0;
	s4 =	rddreg [dreg:$0x16]  }
0x13c: {  	s7 =	rddreg [dreg:$0x1b];
	[sflag:s16] =	ssyncadd.s32 $0xFFFFD900  }
0x13d: {  	[hbm:s4], [sflag:s15] =	dma.local @!p0 [spmem:s7], $0x100  }
0x13e: {  	s4 =	simm.s32 @!p0 $0xD  }
0x13f: {  	_ =	swait.ge @!p0 [sflag:s4], $0x100  }
0x140: {  	s21 =	rddreg [dreg:$0x19]  }
0x141: {  	s24 =	rddreg [dreg:$0x17];
	s17 =	sadd.s32 $0x1, s21  }
0x142: {  	p1 =	sne.s32 s17, s24  }
.Ltmp1:
0x143: {  	_ = 	snop;
	(pc) =	sbr.rel @p1 .LBB2_1-.Ltmp1, $3  }
0x144: {  	_ =	sdelay $0x1  }
0x145: {  	[sflag:s4] =	ssyncset.done @!p0 $0x0  }
0x146: {  	[sflag:s4] =	ssyncadd.s32 @!p0 $0xFFFFFF00  }
0x147: {  	_ =	sfence.sel $0x180000  }
0x148: {  	[bflag:$0x0] =	sbarrier.arrive $0xFFFF  }
0x149: {  	_ =	strace $0x90000047  }
0x14a: {  	[bflag:$0x2] =	sbarrier.arrive $0xFFFF  }
0x14b: {  	s0 =	rddreg [dreg:$0x3]  }
0x14c: {  	s0 =	sadd.s32 @!p0 $0x100000, s0  }
0x14d: {  	[sflag:s0] =	ssyncadd.tile.s32 @!p0 $0x1;
	_ =	shalt  }
.Lfunc_end2:
_tile_overlayer_lowered:
.L_overlay_start_2:
0x14e: {  	(tag) =	ssettag $0x2  }
0x14f: {  	s0 =	rddreg [dreg:$0x0];
	s2 =	stileid.u32  }
0x150: {  	s1 =	rddreg [dreg:$0x1];
	p0 =	sne.s32 s2, $0x0  }
0x151: {  	s3 =	rddreg [dreg:$0x2];
	[bflag:$0x3] =	sbarrier.arrive $0xFFFF;
	s2 =	simm.s32 @!p0 $0x1C0D  }
0x152: {  	[timem:s3], [sflag:s2] =	dma.local @!p0 [hbm:s0], s1  }
0x153: {  	s0 =	simm.s32 @!p0 $0xD  }
0x154: {  	_ =	swait.ge @!p0 [sflag:s0], s1  }
0x155: {  	s1 =	ssub.s32 @!p0 $0x0, s1;
	[sflag:s0] =	ssyncset.done @!p0 $0x0  }
0x156: {  	[sflag:s0] =	ssyncadd.s32 @!p0 s1  }
0x157: {  	[bflag:$0x3] =	sbarrier.arrive $0xFFFF  }
0x158: {  	_ =	shalt  }

</sc_bundles>
